<compile_context>
chip_gen: v7x
topology: tpu7x:2x2x1
jax: 0.10.2.dev20260603
libtpu: 0.0.44.dev20260713+nightly
codegen_flags: <defaults>
</compile_context>

<pallas_src>
import functools

import jax
import jax.numpy as jnp
from jax import lax
from jax.experimental import pallas as pl
from jax.experimental.pallas import tpu as pltpu
from jax.experimental.pallas import tpu_sc as plsc

_L = 16
_NV = 4


@functools.lru_cache(maxsize=None)
def _make_sc_kernel(BC: int, N: int, d: int, R: int, n_rows: int):
    NC, NS = 2, 16
    NW = NC * NS
    pairs = BC // NW
    nfull, rem = divmod(N, R)
    assert BC % NW == 0 and d % _L == 0 and pairs <= _L and R % 4 == 0
    assert n_rows == _NV - 1 and BC >= _L
    nvec = d // _L
    mesh = plsc.VectorSubcoreMesh(core_axis_name="c", subcore_axis_name="s")

    @functools.partial(
        pl.kernel,
        out_type=jax.ShapeDtypeStruct((BC * N, d), jnp.float32),
        mesh=mesh,
        scratch_types=[
            pltpu.VMEM((_L,), jnp.int32),
            pltpu.VMEM((_L,), jnp.int32),
            pltpu.VMEM((2 * _L,), jnp.int32),
            pltpu.VMEM((n_rows, d), jnp.float32),
            pltpu.VMEM((_NV * R, d), jnp.float32),
            pltpu.SemaphoreType.DMA,
            pltpu.SemaphoreType.DMA,
        ],
    )
    def k(table_hbm, idx_hbm, msk_hbm, out_hbm, idx_v, msk_v, sel_v, tab_v,
          tiles, lsem, ssem):
        wid = lax.axis_index("s") * NC + lax.axis_index("c")
        base = wid * pairs
        off = jnp.minimum(base, BC - _L)
        delta = base - off
        ct = pltpu.async_copy(table_hbm, tab_v, lsem)
        ci = pltpu.async_copy(idx_hbm.at[pl.ds(off, _L)], idx_v, lsem)
        cm = pltpu.async_copy(msk_hbm.at[pl.ds(off, _L)], msk_v, lsem)

        zv = jnp.zeros((_L,), jnp.float32)
        rows = [[zv] * nvec for _ in range(_NV)]

        def build(v, rv):
            @plsc.parallel_loop(0, R, 4)
            def body(r4, v=v, rv=rv):
                for u in range(4):
                    for j in range(nvec):
                        tiles[v * R + r4 + u, pl.ds(j * _L, _L)] = rv[j]

        build(_NV - 1, rows[_NV - 1])
        ct.wait()
        for v in range(n_rows):
            build(v, [tab_v[v, pl.ds(j * _L, _L)] for j in range(nvec)])

        ci.wait()
        cm.wait()
        iv = idx_v[...]
        mv = msk_v[...]
        sel_v[pl.ds(0, _L)] = jnp.where(
            mv != 0, jnp.full_like(iv, _NV - 1), iv) * R

        assert rem == 0

        def issue_pair(p, carry):
            src0 = sel_v[pl.ds(delta + p, _L)][0]
            row0 = (base + p) * N

            def issue(s, carry2):
                pltpu.async_copy(
                    tiles.at[pl.ds(src0, R)],
                    out_hbm.at[pl.ds(row0 + s * R, R)], ssem)
                return carry2

            lax.fori_loop(0, nfull, issue, 0)
            return carry

        lax.fori_loop(0, pairs, issue_pair, 0)

        def drain(t, carry):
            pltpu.make_async_copy(
                tiles.at[pl.ds(0, R)], out_hbm.at[pl.ds(0, R)], ssem).wait()
            return carry

        lax.fori_loop(0, pairs * nfull, drain, 0)

    return k


def kernel(x, emb_table, indices, mask):
    B, C, N, _ = x.shape
    n_rows, d = emb_table.shape
    BC = B * C
    out = _make_sc_kernel(BC, N, d, 64, n_rows)(
        emb_table, indices.reshape(BC), mask.reshape(BC).astype(jnp.int32))
    return out.reshape(B, C, N, d)

# --- scband reference (transcript-rebuilt; emitter-appended) ---
"""Pipeline reference for scband-channel-sub-type-embedding-89240830476802 (READ-ONLY COPY).

The authoritative reference and input builder live on the scoring server;
editing this copy changes nothing except your own understanding.
"""

import jax, jax.numpy as jnp
import numpy as np


def setup_inputs(seed: int = 0) -> dict:
    key = jax.random.key(seed)
    k1, k2, k3 = jax.random.split(key, 3)
    B, C, N, F = 4, 64, 2048, 16
    d_emb = 128
    n_types = 3  # len(channel_subtypes) = len(['depth','strip','grid'])
    x = jax.random.normal(k1, (B, C, N, F), dtype=jnp.float32)
    # learned nn.Embedding(len(channel_subtypes), d_emb_model) weight
    emb_table = jax.random.normal(k2, (n_types, d_emb), dtype=jnp.float32)
    # precomputed result of the per-sample string parsing in forward():
    # indices into channel_subtypes, and mask=True where subtype=='Unknown'
    indices = jax.random.randint(k3, (B, C), 0, n_types, dtype=jnp.int32)
    mask = jnp.zeros((B, C), dtype=bool)
    return {"x": x, "emb_table": emb_table, "indices": indices, "mask": mask}


def reference(x, emb_table, indices, mask):
    B, C, N, _ = x.shape
    d_emb = emb_table.shape[1]
    # emb = self.embedding(indices_tensor)  -> gather rows
    emb = jnp.take(emb_table, indices, axis=0)  # [B, C, d_emb]
    # emb.unsqueeze(2).expand(B, C, N, d_emb)
    emb = jnp.broadcast_to(emb[:, :, None, :], (B, C, N, d_emb))
    # mask_tensor.unsqueeze(2).unsqueeze(3).expand(B, C, N, d_emb)
    m = jnp.broadcast_to(mask[:, :, None, None], (B, C, N, d_emb))
    # emb = emb * (~mask).to(emb.dtype)
    emb = emb * (~m).astype(emb.dtype)
    return emb

if __name__ == "__main__":
    import jax
    _d = setup_inputs()
    print(jax.jit(kernel)(*tuple(_d.values())))

</pallas_src>

<mosaic_0001>
#map = affine_map<(d0, d1) -> (0, 0)>
#map1 = affine_map<(d0, d1) -> (0)>
module attributes {stable_mosaic.version = 14 : i64} {
  func.func @k(%arg0: i32, %arg1: i32, %arg2: memref<3x128xf32, #tpu.memory_space<hbm>>, %arg3: memref<256xi32, #tpu.memory_space<hbm>>, %arg4: memref<256xi32, #tpu.memory_space<hbm>>, %arg5: memref<524288x128xf32, #tpu.memory_space<hbm>>, %arg6: memref<16xi32, #tpu.memory_space<vmem>>, %arg7: memref<16xi32, #tpu.memory_space<vmem>>, %arg8: memref<32xi32, #tpu.memory_space<vmem>>, %arg9: memref<3x128xf32, #tpu.memory_space<vmem>>, %arg10: memref<256x128xf32, #tpu.memory_space<vmem>>, %arg11: memref<!tpu.dma_semaphore, #tpu.memory_space<semaphore_mem>>, %arg12: memref<!tpu.dma_semaphore, #tpu.memory_space<semaphore_mem>>) attributes {dimension_semantics = [#tpu.dimension_semantics<core_parallel>, #tpu.dimension_semantics<subcore_parallel>], iteration_bounds = array<i64: 2, 16>, scalar_prefetch = 0 : i64, scratch_operands = 7 : i64, tpu.core_type = #tpu.core_type<sc_vector_subcore>, window_params = [{transform_indices = #map}, {transform_indices = #map1}, {transform_indices = #map1}, {transform_indices = #map}]} {
    %mul3A = arith.constant 2 : i32
    %mul3A_0 = arith.muli %arg1, %mul3A : i32
    %add3A = arith.addi %mul3A_0, %arg0 : i32
    %mul3A_1 = arith.constant 8 : i32
    %mul3A_2 = arith.muli %add3A, %mul3A_1 : i32
    %min3A = arith.constant 240 : i32
    %min3A_3 = arith.minsi %mul3A_2, %min3A : i32
    %sub3A = arith.subi %mul3A_2, %min3A_3 : i32
    tpu.enqueue_dma source(%arg2 : memref<3x128xf32, #tpu.memory_space<hbm>>) target(%arg9 : memref<3x128xf32, #tpu.memory_space<vmem>>) target_semaphore(%arg11 : memref<!tpu.dma_semaphore, #tpu.memory_space<semaphore_mem>>)
    %dma_start3A = tpu.memref_slice %arg3[%min3A_3] : memref<256xi32, #tpu.memory_space<hbm>> -> memref<16xi32, #tpu.memory_space<hbm>>
    %dma_start3A_4 = tpu.memref_slice %arg3[%min3A_3] : memref<256xi32, #tpu.memory_space<hbm>> -> memref<16xi32, #tpu.memory_space<hbm>>
    tpu.enqueue_dma source(%dma_start3A_4 : memref<16xi32, #tpu.memory_space<hbm>>) target(%arg6 : memref<16xi32, #tpu.memory_space<vmem>>) target_semaphore(%arg11 : memref<!tpu.dma_semaphore, #tpu.memory_space<semaphore_mem>>)
    %dma_start3A_5 = tpu.memref_slice %arg4[%min3A_3] : memref<256xi32, #tpu.memory_space<hbm>> -> memref<16xi32, #tpu.memory_space<hbm>>
    %dma_start3A_6 = tpu.memref_slice %arg4[%min3A_3] : memref<256xi32, #tpu.memory_space<hbm>> -> memref<16xi32, #tpu.memory_space<hbm>>
    tpu.enqueue_dma source(%dma_start3A_6 : memref<16xi32, #tpu.memory_space<hbm>>) target(%arg7 : memref<16xi32, #tpu.memory_space<vmem>>) target_semaphore(%arg11 : memref<!tpu.dma_semaphore, #tpu.memory_space<semaphore_mem>>)
    %broadcast_in_dim3A = arith.constant 0.000000e+00 : f32
    %broadcast_in_dim3A_7 = vector.broadcast %broadcast_in_dim3A : f32 to vector<16xf32>
    %parallel_loop3A = arith.constant 0 : i32
    %parallel_loop3A_8 = arith.constant 64 : i32
    %parallel_loop3A_9 = arith.constant 4 : i32
    scf.for %parallel_loop3A_168 = %parallel_loop3A to %parallel_loop3A_8 step %parallel_loop3A_9  : i32 {
      %parallel_loop3A_169 = arith.constant 192 : i32
      %parallel_loop3A_170 = arith.addi %parallel_loop3A_169, %parallel_loop3A_168 : i32
      %parallel_loop3A_171 = arith.constant 0 : i32
      %parallel_loop3A_172 = arith.addi %parallel_loop3A_170, %parallel_loop3A_171 : i32
      %parallel_loop3A_173 = arith.index_cast %parallel_loop3A_172 : i32 to index
      %parallel_loop3A_174 = arith.constant 0 : index
      %parallel_loop3A_175 = tpu.vector_load %arg10[%parallel_loop3A_173, %parallel_loop3A_174] {strides = array<i32>} : memref<256x128xf32, #tpu.memory_space<vmem>>, vector<1x16xf32>,
      %parallel_loop3A_176 = vector.shape_cast %parallel_loop3A_175 : vector<1x16xf32> to vector<16xf32>
      %parallel_loop3A_177 = vector.shape_cast %broadcast_in_dim3A_7 : vector<16xf32> to vector<1x16xf32>
      tpu.vector_store %arg10[%parallel_loop3A_173, %parallel_loop3A_174], %parallel_loop3A_177 {strides = array<i32>} : memref<256x128xf32, #tpu.memory_space<vmem>>, vector<1x16xf32>,
      %parallel_loop3A_178 = arith.constant 192 : i32
      %parallel_loop3A_179 = arith.addi %parallel_loop3A_178, %parallel_loop3A_168 : i32
      %parallel_loop3A_180 = arith.constant 0 : i32
      %parallel_loop3A_181 = arith.addi %parallel_loop3A_179, %parallel_loop3A_180 : i32
      %parallel_loop3A_182 = arith.index_cast %parallel_loop3A_181 : i32 to index
      %parallel_loop3A_183 = arith.constant 16 : index
      %parallel_loop3A_184 = tpu.vector_load %arg10[%parallel_loop3A_182, %parallel_loop3A_183] {strides = array<i32>} : memref<256x128xf32, #tpu.memory_space<vmem>>, vector<1x16xf32>,
      %parallel_loop3A_185 = vector.shape_cast %parallel_loop3A_184 : vector<1x16xf32> to vector<16xf32>
      %parallel_loop3A_186 = vector.shape_cast %broadcast_in_dim3A_7 : vector<16xf32> to vector<1x16xf32>
      tpu.vector_store %arg10[%parallel_loop3A_182, %parallel_loop3A_183], %parallel_loop3A_186 {strides = array<i32>} : memref<256x128xf32, #tpu.memory_space<vmem>>, vector<1x16xf32>,
      %parallel_loop3A_187 = arith.constant 192 : i32
      %parallel_loop3A_188 = arith.addi %parallel_loop3A_187, %parallel_loop3A_168 : i32
      %parallel_loop3A_189 = arith.constant 0 : i32
      %parallel_loop3A_190 = arith.addi %parallel_loop3A_188, %parallel_loop3A_189 : i32
      %parallel_loop3A_191 = arith.index_cast %parallel_loop3A_190 : i32 to index
      %parallel_loop3A_192 = arith.constant 32 : index
      %parallel_loop3A_193 = tpu.vector_load %arg10[%parallel_loop3A_191, %parallel_loop3A_192] {strides = array<i32>} : memref<256x128xf32, #tpu.memory_space<vmem>>, vector<1x16xf32>,
      %parallel_loop3A_194 = vector.shape_cast %parallel_loop3A_193 : vector<1x16xf32> to vector<16xf32>
      %parallel_loop3A_195 = vector.shape_cast %broadcast_in_dim3A_7 : vector<16xf32> to vector<1x16xf32>
      tpu.vector_store %arg10[%parallel_loop3A_191, %parallel_loop3A_192], %parallel_loop3A_195 {strides = array<i32>} : memref<256x128xf32, #tpu.memory_space<vmem>>, vector<1x16xf32>,
      %parallel_loop3A_196 = arith.constant 192 : i32
      %parallel_loop3A_197 = arith.addi %parallel_loop3A_196, %parallel_loop3A_168 : i32
      %parallel_loop3A_198 = arith.constant 0 : i32
      %parallel_loop3A_199 = arith.addi %parallel_loop3A_197, %parallel_loop3A_198 : i32
      %parallel_loop3A_200 = arith.index_cast %parallel_loop3A_199 : i32 to index
      %parallel_loop3A_201 = arith.constant 48 : index
      %parallel_loop3A_202 = tpu.vector_load %arg10[%parallel_loop3A_200, %parallel_loop3A_201] {strides = array<i32>} : memref<256x128xf32, #tpu.memory_space<vmem>>, vector<1x16xf32>,
      %parallel_loop3A_203 = vector.shape_cast %parallel_loop3A_202 : vector<1x16xf32> to vector<16xf32>
      %parallel_loop3A_204 = vector.shape_cast %broadcast_in_dim3A_7 : vector<16xf32> to vector<1x16xf32>
      tpu.vector_store %arg10[%parallel_loop3A_200, %parallel_loop3A_201], %parallel_loop3A_204 {strides = array<i32>} : memref<256x128xf32, #tpu.memory_space<vmem>>, vector<1x16xf32>,
      %parallel_loop3A_205 = arith.constant 192 : i32
      %parallel_loop3A_206 = arith.addi %parallel_loop3A_205, %parallel_loop3A_168 : i32
      %parallel_loop3A_207 = arith.constant 0 : i32
      %parallel_loop3A_208 = arith.addi %parallel_loop3A_206, %parallel_loop3A_207 : i32
      %parallel_loop3A_209 = arith.index_cast %parallel_loop3A_208 : i32 to index
      %parallel_loop3A_210 = arith.constant 64 : index
      %parallel_loop3A_211 = tpu.vector_load %arg10[%parallel_loop3A_209, %parallel_loop3A_210] {strides = array<i32>} : memref<256x128xf32, #tpu.memory_space<vmem>>, vector<1x16xf32>,
      %parallel_loop3A_212 = vector.shape_cast %parallel_loop3A_211 : vector<1x16xf32> to vector<16xf32>
      %parallel_loop3A_213 = vector.shape_cast %broadcast_in_dim3A_7 : vector<16xf32> to vector<1x16xf32>
      tpu.vector_store %arg10[%parallel_loop3A_209, %parallel_loop3A_210], %parallel_loop3A_213 {strides = array<i32>} : memref<256x128xf32, #tpu.memory_space<vmem>>, vector<1x16xf32>,
      %parallel_loop3A_214 = arith.constant 192 : i32
      %parallel_loop3A_215 = arith.addi %parallel_loop3A_214, %parallel_loop3A_168 : i32
      %parallel_loop3A_216 = arith.constant 0 : i32
      %parallel_loop3A_217 = arith.addi %parallel_loop3A_215, %parallel_loop3A_216 : i32
      %parallel_loop3A_218 = arith.index_cast %parallel_loop3A_217 : i32 to index
      %parallel_loop3A_219 = arith.constant 80 : index
      %parallel_loop3A_220 = tpu.vector_load %arg10[%parallel_loop3A_218, %parallel_loop3A_219] {strides = array<i32>} : memref<256x128xf32, #tpu.memory_space<vmem>>, vector<1x16xf32>,
      %parallel_loop3A_221 = vector.shape_cast %parallel_loop3A_220 : vector<1x16xf32> to vector<16xf32>
      %parallel_loop3A_222 = vector.shape_cast %broadcast_in_dim3A_7 : vector<16xf32> to vector<1x16xf32>
      tpu.vector_store %arg10[%parallel_loop3A_218, %parallel_loop3A_219], %parallel_loop3A_222 {strides = array<i32>} : memref<256x128xf32, #tpu.memory_space<vmem>>, vector<1x16xf32>,
      %parallel_loop3A_223 = arith.constant 192 : i32
      %parallel_loop3A_224 = arith.addi %parallel_loop3A_223, %parallel_loop3A_168 : i32
      %parallel_loop3A_225 = arith.constant 0 : i32
      %parallel_loop3A_226 = arith.addi %parallel_loop3A_224, %parallel_loop3A_225 : i32
      %parallel_loop3A_227 = arith.index_cast %parallel_loop3A_226 : i32 to index
      %parallel_loop3A_228 = arith.constant 96 : index
      %parallel_loop3A_229 = tpu.vector_load %arg10[%parallel_loop3A_227, %parallel_loop3A_228] {strides = array<i32>} : memref<256x128xf32, #tpu.memory_space<vmem>>, vector<1x16xf32>,
      %parallel_loop3A_230 = vector.shape_cast %parallel_loop3A_229 : vector<1x16xf32> to vector<16xf32>
      %parallel_loop3A_231 = vector.shape_cast %broadcast_in_dim3A_7 : vector<16xf32> to vector<1x16xf32>
      tpu.vector_store %arg10[%parallel_loop3A_227, %parallel_loop3A_228], %parallel_loop3A_231 {strides = array<i32>} : memref<256x128xf32, #tpu.memory_space<vmem>>, vector<1x16xf32>,
      %parallel_loop3A_232 = arith.constant 192 : i32
      %parallel_loop3A_233 = arith.addi %parallel_loop3A_232, %parallel_loop3A_168 : i32
      %parallel_loop3A_234 = arith.constant 0 : i32
      %parallel_loop3A_235 = arith.addi %parallel_loop3A_233, %parallel_loop3A_234 : i32
      %parallel_loop3A_236 = arith.index_cast %parallel_loop3A_235 : i32 to index
      %parallel_loop3A_237 = arith.constant 112 : index
      %parallel_loop3A_238 = tpu.vector_load %arg10[%parallel_loop3A_236, %parallel_loop3A_237] {strides = array<i32>} : memref<256x128xf32, #tpu.memory_space<vmem>>, vector<1x16xf32>,
      %parallel_loop3A_239 = vector.shape_cast %parallel_loop3A_238 : vector<1x16xf32> to vector<16xf32>
      %parallel_loop3A_240 = vector.shape_cast %broadcast_in_dim3A_7 : vector<16xf32> to vector<1x16xf32>
      tpu.vector_store %arg10[%parallel_loop3A_236, %parallel_loop3A_237], %parallel_loop3A_240 {strides = array<i32>} : memref<256x128xf32, #tpu.memory_space<vmem>>, vector<1x16xf32>,
      %parallel_loop3A_241 = arith.constant 192 : i32
      %parallel_loop3A_242 = arith.addi %parallel_loop3A_241, %parallel_loop3A_168 : i32
      %parallel_loop3A_243 = arith.constant 1 : i32
      %parallel_loop3A_244 = arith.addi %parallel_loop3A_242, %parallel_loop3A_243 : i32
      %parallel_loop3A_245 = arith.index_cast %parallel_loop3A_244 : i32 to index
      %parallel_loop3A_246 = arith.constant 0 : index
      %parallel_loop3A_247 = tpu.vector_load %arg10[%parallel_loop3A_245, %parallel_loop3A_246] {strides = array<i32>} : memref<256x128xf32, #tpu.memory_space<vmem>>, vector<1x16xf32>,
      %parallel_loop3A_248 = vector.shape_cast %parallel_loop3A_247 : vector<1x16xf32> to vector<16xf32>
      %parallel_loop3A_249 = vector.shape_cast %broadcast_in_dim3A_7 : vector<16xf32> to vector<1x16xf32>
      tpu.vector_store %arg10[%parallel_loop3A_245, %parallel_loop3A_246], %parallel_loop3A_249 {strides = array<i32>} : memref<256x128xf32, #tpu.memory_space<vmem>>, vector<1x16xf32>,
      %parallel_loop3A_250 = arith.constant 192 : i32
      %parallel_loop3A_251 = arith.addi %parallel_loop3A_250, %parallel_loop3A_168 : i32
      %parallel_loop3A_252 = arith.constant 1 : i32
      %parallel_loop3A_253 = arith.addi %parallel_loop3A_251, %parallel_loop3A_252 : i32
      %parallel_loop3A_254 = arith.index_cast %parallel_loop3A_253 : i32 to index
      %parallel_loop3A_255 = arith.constant 16 : index
      %parallel_loop3A_256 = tpu.vector_load %arg10[%parallel_loop3A_254, %parallel_loop3A_255] {strides = array<i32>} : memref<256x128xf32, #tpu.memory_space<vmem>>, vector<1x16xf32>,
      %parallel_loop3A_257 = vector.shape_cast %parallel_loop3A_256 : vector<1x16xf32> to vector<16xf32>
      %parallel_loop3A_258 = vector.shape_cast %broadcast_in_dim3A_7 : vector<16xf32> to vector<1x16xf32>
      tpu.vector_store %arg10[%parallel_loop3A_254, %parallel_loop3A_255], %parallel_loop3A_258 {strides = array<i32>} : memref<256x128xf32, #tpu.memory_space<vmem>>, vector<1x16xf32>,
      %parallel_loop3A_259 = arith.constant 192 : i32
      %parallel_loop3A_260 = arith.addi %parallel_loop3A_259, %parallel_loop3A_168 : i32
      %parallel_loop3A_261 = arith.constant 1 : i32
      %parallel_loop3A_262 = arith.addi %parallel_loop3A_260, %parallel_loop3A_261 : i32
      %parallel_loop3A_263 = arith.index_cast %parallel_loop3A_262 : i32 to index
      %parallel_loop3A_264 = arith.constant 32 : index
      %parallel_loop3A_265 = tpu.vector_load %arg10[%parallel_loop3A_263, %parallel_loop3A_264] {strides = array<i32>} : memref<256x128xf32, #tpu.memory_space<vmem>>, vector<1x16xf32>,
      %parallel_loop3A_266 = vector.shape_cast %parallel_loop3A_265 : vector<1x16xf32> to vector<16xf32>
      %parallel_loop3A_267 = vector.shape_cast %broadcast_in_dim3A_7 : vector<16xf32> to vector<1x16xf32>
      tpu.vector_store %arg10[%parallel_loop3A_263, %parallel_loop3A_264], %parallel_loop3A_267 {strides = array<i32>} : memref<256x128xf32, #tpu.memory_space<vmem>>, vector<1x16xf32>,
      %parallel_loop3A_268 = arith.constant 192 : i32
      %parallel_loop3A_269 = arith.addi %parallel_loop3A_268, %parallel_loop3A_168 : i32
      %parallel_loop3A_270 = arith.constant 1 : i32
      %parallel_loop3A_271 = arith.addi %parallel_loop3A_269, %parallel_loop3A_270 : i32
      %parallel_loop3A_272 = arith.index_cast %parallel_loop3A_271 : i32 to index
      %parallel_loop3A_273 = arith.constant 48 : index
      %parallel_loop3A_274 = tpu.vector_load %arg10[%parallel_loop3A_272, %parallel_loop3A_273] {strides = array<i32>} : memref<256x128xf32, #tpu.memory_space<vmem>>, vector<1x16xf32>,
      %parallel_loop3A_275 = vector.shape_cast %parallel_loop3A_274 : vector<1x16xf32> to vector<16xf32>
      %parallel_loop3A_276 = vector.shape_cast %broadcast_in_dim3A_7 : vector<16xf32> to vector<1x16xf32>
      tpu.vector_store %arg10[%parallel_loop3A_272, %parallel_loop3A_273], %parallel_loop3A_276 {strides = array<i32>} : memref<256x128xf32, #tpu.memory_space<vmem>>, vector<1x16xf32>,
      %parallel_loop3A_277 = arith.constant 192 : i32
      %parallel_loop3A_278 = arith.addi %parallel_loop3A_277, %parallel_loop3A_168 : i32
      %parallel_loop3A_279 = arith.constant 1 : i32
      %parallel_loop3A_280 = arith.addi %parallel_loop3A_278, %parallel_loop3A_279 : i32
      %parallel_loop3A_281 = arith.index_cast %parallel_loop3A_280 : i32 to index
      %parallel_loop3A_282 = arith.constant 64 : index
      %parallel_loop3A_283 = tpu.vector_load %arg10[%parallel_loop3A_281, %parallel_loop3A_282] {strides = array<i32>} : memref<256x128xf32, #tpu.memory_space<vmem>>, vector<1x16xf32>,
      %parallel_loop3A_284 = vector.shape_cast %parallel_loop3A_283 : vector<1x16xf32> to vector<16xf32>
      %parallel_loop3A_285 = vector.shape_cast %broadcast_in_dim3A_7 : vector<16xf32> to vector<1x16xf32>
      tpu.vector_store %arg10[%parallel_loop3A_281, %parallel_loop3A_282], %parallel_loop3A_285 {strides = array<i32>} : memref<256x128xf32, #tpu.memory_space<vmem>>, vector<1x16xf32>,
      %parallel_loop3A_286 = arith.constant 192 : i32
      %parallel_loop3A_287 = arith.addi %parallel_loop3A_286, %parallel_loop3A_168 : i32
      %parallel_loop3A_288 = arith.constant 1 : i32
      %parallel_loop3A_289 = arith.addi %parallel_loop3A_287, %parallel_loop3A_288 : i32
      %parallel_loop3A_290 = arith.index_cast %parallel_loop3A_289 : i32 to index
      %parallel_loop3A_291 = arith.constant 80 : index
      %parallel_loop3A_292 = tpu.vector_load %arg10[%parallel_loop3A_290, %parallel_loop3A_291] {strides = array<i32>} : memref<256x128xf32, #tpu.memory_space<vmem>>, vector<1x16xf32>,
      %parallel_loop3A_293 = vector.shape_cast %parallel_loop3A_292 : vector<1x16xf32> to vector<16xf32>
      %parallel_loop3A_294 = vector.shape_cast %broadcast_in_dim3A_7 : vector<16xf32> to vector<1x16xf32>
      tpu.vector_store %arg10[%parallel_loop3A_290, %parallel_loop3A_291], %parallel_loop3A_294 {strides = array<i32>} : memref<256x128xf32, #tpu.memory_space<vmem>>, vector<1x16xf32>,
      %parallel_loop3A_295 = arith.constant 192 : i32
      %parallel_loop3A_296 = arith.addi %parallel_loop3A_295, %parallel_loop3A_168 : i32
      %parallel_loop3A_297 = arith.constant 1 : i32
      %parallel_loop3A_298 = arith.addi %parallel_loop3A_296, %parallel_loop3A_297 : i32
      %parallel_loop3A_299 = arith.index_cast %parallel_loop3A_298 : i32 to index
      %parallel_loop3A_300 = arith.constant 96 : index
      %parallel_loop3A_301 = tpu.vector_load %arg10[%parallel_loop3A_299, %parallel_loop3A_300] {strides = array<i32>} : memref<256x128xf32, #tpu.memory_space<vmem>>, vector<1x16xf32>,
      %parallel_loop3A_302 = vector.shape_cast %parallel_loop3A_301 : vector<1x16xf32> to vector<16xf32>
      %parallel_loop3A_303 = vector.shape_cast %broadcast_in_dim3A_7 : vector<16xf32> to vector<1x16xf32>
      tpu.vector_store %arg10[%parallel_loop3A_299, %parallel_loop3A_300], %parallel_loop3A_303 {strides = array<i32>} : memref<256x128xf32, #tpu.memory_space<vmem>>, vector<1x16xf32>,
      %parallel_loop3A_304 = arith.constant 192 : i32
      %parallel_loop3A_305 = arith.addi %parallel_loop3A_304, %parallel_loop3A_168 : i32
      %parallel_loop3A_306 = arith.constant 1 : i32
      %parallel_loop3A_307 = arith.addi %parallel_loop3A_305, %parallel_loop3A_306 : i32
      %parallel_loop3A_308 = arith.index_cast %parallel_loop3A_307 : i32 to index
      %parallel_loop3A_309 = arith.constant 112 : index
      %parallel_loop3A_310 = tpu.vector_load %arg10[%parallel_loop3A_308, %parallel_loop3A_309] {strides = array<i32>} : memref<256x128xf32, #tpu.memory_space<vmem>>, vector<1x16xf32>,
      %parallel_loop3A_311 = vector.shape_cast %parallel_loop3A_310 : vector<1x16xf32> to vector<16xf32>
      %parallel_loop3A_312 = vector.shape_cast %broadcast_in_dim3A_7 : vector<16xf32> to vector<1x16xf32>
      tpu.vector_store %arg10[%parallel_loop3A_308, %parallel_loop3A_309], %parallel_loop3A_312 {strides = array<i32>} : memref<256x128xf32, #tpu.memory_space<vmem>>, vector<1x16xf32>,
      %parallel_loop3A_313 = arith.constant 192 : i32
      %parallel_loop3A_314 = arith.addi %parallel_loop3A_313, %parallel_loop3A_168 : i32
      %parallel_loop3A_315 = arith.constant 2 : i32
      %parallel_loop3A_316 = arith.addi %parallel_loop3A_314, %parallel_loop3A_315 : i32
      %parallel_loop3A_317 = arith.index_cast %parallel_loop3A_316 : i32 to index
      %parallel_loop3A_318 = arith.constant 0 : index
      %parallel_loop3A_319 = tpu.vector_load %arg10[%parallel_loop3A_317, %parallel_loop3A_318] {strides = array<i32>} : memref<256x128xf32, #tpu.memory_space<vmem>>, vector<1x16xf32>,
      %parallel_loop3A_320 = vector.shape_cast %parallel_loop3A_319 : vector<1x16xf32> to vector<16xf32>
      %parallel_loop3A_321 = vector.shape_cast %broadcast_in_dim3A_7 : vector<16xf32> to vector<1x16xf32>
      tpu.vector_store %arg10[%parallel_loop3A_317, %parallel_loop3A_318], %parallel_loop3A_321 {strides = array<i32>} : memref<256x128xf32, #tpu.memory_space<vmem>>, vector<1x16xf32>,
      %parallel_loop3A_322 = arith.constant 192 : i32
      %parallel_loop3A_323 = arith.addi %parallel_loop3A_322, %parallel_loop3A_168 : i32
      %parallel_loop3A_324 = arith.constant 2 : i32
      %parallel_loop3A_325 = arith.addi %parallel_loop3A_323, %parallel_loop3A_324 : i32
      %parallel_loop3A_326 = arith.index_cast %parallel_loop3A_325 : i32 to index
      %parallel_loop3A_327 = arith.constant 16 : index
      %parallel_loop3A_328 = tpu.vector_load %arg10[%parallel_loop3A_326, %parallel_loop3A_327] {strides = array<i32>} : memref<256x128xf32, #tpu.memory_space<vmem>>, vector<1x16xf32>,
      %parallel_loop3A_329 = vector.shape_cast %parallel_loop3A_328 : vector<1x16xf32> to vector<16xf32>
      %parallel_loop3A_330 = vector.shape_cast %broadcast_in_dim3A_7 : vector<16xf32> to vector<1x16xf32>
      tpu.vector_store %arg10[%parallel_loop3A_326, %parallel_loop3A_327], %parallel_loop3A_330 {strides = array<i32>} : memref<256x128xf32, #tpu.memory_space<vmem>>, vector<1x16xf32>,
      %parallel_loop3A_331 = arith.constant 192 : i32
      %parallel_loop3A_332 = arith.addi %parallel_loop3A_331, %parallel_loop3A_168 : i32
      %parallel_loop3A_333 = arith.constant 2 : i32
      %parallel_loop3A_334 = arith.addi %parallel_loop3A_332, %parallel_loop3A_333 : i32
      %parallel_loop3A_335 = arith.index_cast %parallel_loop3A_334 : i32 to index
      %parallel_loop3A_336 = arith.constant 32 : index
      %parallel_loop3A_337 = tpu.vector_load %arg10[%parallel_loop3A_335, %parallel_loop3A_336] {strides = array<i32>} : memref<256x128xf32, #tpu.memory_space<vmem>>, vector<1x16xf32>,
      %parallel_loop3A_338 = vector.shape_cast %parallel_loop3A_337 : vector<1x16xf32> to vector<16xf32>
      %parallel_loop3A_339 = vector.shape_cast %broadcast_in_dim3A_7 : vector<16xf32> to vector<1x16xf32>
      tpu.vector_store %arg10[%parallel_loop3A_335, %parallel_loop3A_336], %parallel_loop3A_339 {strides = array<i32>} : memref<256x128xf32, #tpu.memory_space<vmem>>, vector<1x16xf32>,
      %parallel_loop3A_340 = arith.constant 192 : i32
      %parallel_loop3A_341 = arith.addi %parallel_loop3A_340, %parallel_loop3A_168 : i32
      %parallel_loop3A_342 = arith.constant 2 : i32
      %parallel_loop3A_343 = arith.addi %parallel_loop3A_341, %parallel_loop3A_342 : i32
      %parallel_loop3A_344 = arith.index_cast %parallel_loop3A_343 : i32 to index
      %parallel_loop3A_345 = arith.constant 48 : index
      %parallel_loop3A_346 = tpu.vector_load %arg10[%parallel_loop3A_344, %parallel_loop3A_345] {strides = array<i32>} : memref<256x128xf32, #tpu.memory_space<vmem>>, vector<1x16xf32>,
      %parallel_loop3A_347 = vector.shape_cast %parallel_loop3A_346 : vector<1x16xf32> to vector<16xf32>
      %parallel_loop3A_348 = vector.shape_cast %broadcast_in_dim3A_7 : vector<16xf32> to vector<1x16xf32>
      tpu.vector_store %arg10[%parallel_loop3A_344, %parallel_loop3A_345], %parallel_loop3A_348 {strides = array<i32>} : memref<256x128xf32, #tpu.memory_space<vmem>>, vector<1x16xf32>,
      %parallel_loop3A_349 = arith.constant 192 : i32
      %parallel_loop3A_350 = arith.addi %parallel_loop3A_349, %parallel_loop3A_168 : i32
      %parallel_loop3A_351 = arith.constant 2 : i32
      %parallel_loop3A_352 = arith.addi %parallel_loop3A_350, %parallel_loop3A_351 : i32
      %parallel_loop3A_353 = arith.index_cast %parallel_loop3A_352 : i32 to index
      %parallel_loop3A_354 = arith.constant 64 : index
      %parallel_loop3A_355 = tpu.vector_load %arg10[%parallel_loop3A_353, %parallel_loop3A_354] {strides = array<i32>} : memref<256x128xf32, #tpu.memory_space<vmem>>, vector<1x16xf32>,
      %parallel_loop3A_356 = vector.shape_cast %parallel_loop3A_355 : vector<1x16xf32> to vector<16xf32>
      %parallel_loop3A_357 = vector.shape_cast %broadcast_in_dim3A_7 : vector<16xf32> to vector<1x16xf32>
      tpu.vector_store %arg10[%parallel_loop3A_353, %parallel_loop3A_354], %parallel_loop3A_357 {strides = array<i32>} : memref<256x128xf32, #tpu.memory_space<vmem>>, vector<1x16xf32>,
      %parallel_loop3A_358 = arith.constant 192 : i32
      %parallel_loop3A_359 = arith.addi %parallel_loop3A_358, %parallel_loop3A_168 : i32
      %parallel_loop3A_360 = arith.constant 2 : i32
      %parallel_loop3A_361 = arith.addi %parallel_loop3A_359, %parallel_loop3A_360 : i32
      %parallel_loop3A_362 = arith.index_cast %parallel_loop3A_361 : i32 to index
      %parallel_loop3A_363 = arith.constant 80 : index
      %parallel_loop3A_364 = tpu.vector_load %arg10[%parallel_loop3A_362, %parallel_loop3A_363] {strides = array<i32>} : memref<256x128xf32, #tpu.memory_space<vmem>>, vector<1x16xf32>,
      %parallel_loop3A_365 = vector.shape_cast %parallel_loop3A_364 : vector<1x16xf32> to vector<16xf32>
      %parallel_loop3A_366 = vector.shape_cast %broadcast_in_dim3A_7 : vector<16xf32> to vector<1x16xf32>
      tpu.vector_store %arg10[%parallel_loop3A_362, %parallel_loop3A_363], %parallel_loop3A_366 {strides = array<i32>} : memref<256x128xf32, #tpu.memory_space<vmem>>, vector<1x16xf32>,
      %parallel_loop3A_367 = arith.constant 192 : i32
      %parallel_loop3A_368 = arith.addi %parallel_loop3A_367, %parallel_loop3A_168 : i32
      %parallel_loop3A_369 = arith.constant 2 : i32
      %parallel_loop3A_370 = arith.addi %parallel_loop3A_368, %parallel_loop3A_369 : i32
      %parallel_loop3A_371 = arith.index_cast %parallel_loop3A_370 : i32 to index
      %parallel_loop3A_372 = arith.constant 96 : index
      %parallel_loop3A_373 = tpu.vector_load %arg10[%parallel_loop3A_371, %parallel_loop3A_372] {strides = array<i32>} : memref<256x128xf32, #tpu.memory_space<vmem>>, vector<1x16xf32>,
      %parallel_loop3A_374 = vector.shape_cast %parallel_loop3A_373 : vector<1x16xf32> to vector<16xf32>
      %parallel_loop3A_375 = vector.shape_cast %broadcast_in_dim3A_7 : vector<16xf32> to vector<1x16xf32>
      tpu.vector_store %arg10[%parallel_loop3A_371, %parallel_loop3A_372], %parallel_loop3A_375 {strides = array<i32>} : memref<256x128xf32, #tpu.memory_space<vmem>>, vector<1x16xf32>,
      %parallel_loop3A_376 = arith.constant 192 : i32
      %parallel_loop3A_377 = arith.addi %parallel_loop3A_376, %parallel_loop3A_168 : i32
      %parallel_loop3A_378 = arith.constant 2 : i32
      %parallel_loop3A_379 = arith.addi %parallel_loop3A_377, %parallel_loop3A_378 : i32
      %parallel_loop3A_380 = arith.index_cast %parallel_loop3A_379 : i32 to index
      %parallel_loop3A_381 = arith.constant 112 : index
      %parallel_loop3A_382 = tpu.vector_load %arg10[%parallel_loop3A_380, %parallel_loop3A_381] {strides = array<i32>} : memref<256x128xf32, #tpu.memory_space<vmem>>, vector<1x16xf32>,
      %parallel_loop3A_383 = vector.shape_cast %parallel_loop3A_382 : vector<1x16xf32> to vector<16xf32>
      %parallel_loop3A_384 = vector.shape_cast %broadcast_in_dim3A_7 : vector<16xf32> to vector<1x16xf32>
      tpu.vector_store %arg10[%parallel_loop3A_380, %parallel_loop3A_381], %parallel_loop3A_384 {strides = array<i32>} : memref<256x128xf32, #tpu.memory_space<vmem>>, vector<1x16xf32>,
      %parallel_loop3A_385 = arith.constant 192 : i32
      %parallel_loop3A_386 = arith.addi %parallel_loop3A_385, %parallel_loop3A_168 : i32
      %parallel_loop3A_387 = arith.constant 3 : i32
      %parallel_loop3A_388 = arith.addi %parallel_loop3A_386, %parallel_loop3A_387 : i32
      %parallel_loop3A_389 = arith.index_cast %parallel_loop3A_388 : i32 to index
      %parallel_loop3A_390 = arith.constant 0 : index
      %parallel_loop3A_391 = tpu.vector_load %arg10[%parallel_loop3A_389, %parallel_loop3A_390] {strides = array<i32>} : memref<256x128xf32, #tpu.memory_space<vmem>>, vector<1x16xf32>,
      %parallel_loop3A_392 = vector.shape_cast %parallel_loop3A_391 : vector<1x16xf32> to vector<16xf32>
      %parallel_loop3A_393 = vector.shape_cast %broadcast_in_dim3A_7 : vector<16xf32> to vector<1x16xf32>
      tpu.vector_store %arg10[%parallel_loop3A_389, %parallel_loop3A_390], %parallel_loop3A_393 {strides = array<i32>} : memref<256x128xf32, #tpu.memory_space<vmem>>, vector<1x16xf32>,
      %parallel_loop3A_394 = arith.constant 192 : i32
      %parallel_loop3A_395 = arith.addi %parallel_loop3A_394, %parallel_loop3A_168 : i32
      %parallel_loop3A_396 = arith.constant 3 : i32
      %parallel_loop3A_397 = arith.addi %parallel_loop3A_395, %parallel_loop3A_396 : i32
      %parallel_loop3A_398 = arith.index_cast %parallel_loop3A_397 : i32 to index
      %parallel_loop3A_399 = arith.constant 16 : index
      %parallel_loop3A_400 = tpu.vector_load %arg10[%parallel_loop3A_398, %parallel_loop3A_399] {strides = array<i32>} : memref<256x128xf32, #tpu.memory_space<vmem>>, vector<1x16xf32>,
      %parallel_loop3A_401 = vector.shape_cast %parallel_loop3A_400 : vector<1x16xf32> to vector<16xf32>
      %parallel_loop3A_402 = vector.shape_cast %broadcast_in_dim3A_7 : vector<16xf32> to vector<1x16xf32>
      tpu.vector_store %arg10[%parallel_loop3A_398, %parallel_loop3A_399], %parallel_loop3A_402 {strides = array<i32>} : memref<256x128xf32, #tpu.memory_space<vmem>>, vector<1x16xf32>,
      %parallel_loop3A_403 = arith.constant 192 : i32
      %parallel_loop3A_404 = arith.addi %parallel_loop3A_403, %parallel_loop3A_168 : i32
      %parallel_loop3A_405 = arith.constant 3 : i32
      %parallel_loop3A_406 = arith.addi %parallel_loop3A_404, %parallel_loop3A_405 : i32
      %parallel_loop3A_407 = arith.index_cast %parallel_loop3A_406 : i32 to index
      %parallel_loop3A_408 = arith.constant 32 : index
      %parallel_loop3A_409 = tpu.vector_load %arg10[%parallel_loop3A_407, %parallel_loop3A_408] {strides = array<i32>} : memref<256x128xf32, #tpu.memory_space<vmem>>, vector<1x16xf32>,
      %parallel_loop3A_410 = vector.shape_cast %parallel_loop3A_409 : vector<1x16xf32> to vector<16xf32>
      %parallel_loop3A_411 = vector.shape_cast %broadcast_in_dim3A_7 : vector<16xf32> to vector<1x16xf32>
      tpu.vector_store %arg10[%parallel_loop3A_407, %parallel_loop3A_408], %parallel_loop3A_411 {strides = array<i32>} : memref<256x128xf32, #tpu.memory_space<vmem>>, vector<1x16xf32>,
      %parallel_loop3A_412 = arith.constant 192 : i32
      %parallel_loop3A_413 = arith.addi %parallel_loop3A_412, %parallel_loop3A_168 : i32
      %parallel_loop3A_414 = arith.constant 3 : i32
      %parallel_loop3A_415 = arith.addi %parallel_loop3A_413, %parallel_loop3A_414 : i32
      %parallel_loop3A_416 = arith.index_cast %parallel_loop3A_415 : i32 to index
      %parallel_loop3A_417 = arith.constant 48 : index
      %parallel_loop3A_418 = tpu.vector_load %arg10[%parallel_loop3A_416, %parallel_loop3A_417] {strides = array<i32>} : memref<256x128xf32, #tpu.memory_space<vmem>>, vector<1x16xf32>,
      %parallel_loop3A_419 = vector.shape_cast %parallel_loop3A_418 : vector<1x16xf32> to vector<16xf32>
      %parallel_loop3A_420 = vector.shape_cast %broadcast_in_dim3A_7 : vector<16xf32> to vector<1x16xf32>
      tpu.vector_store %arg10[%parallel_loop3A_416, %parallel_loop3A_417], %parallel_loop3A_420 {strides = array<i32>} : memref<256x128xf32, #tpu.memory_space<vmem>>, vector<1x16xf32>,
      %parallel_loop3A_421 = arith.constant 192 : i32
      %parallel_loop3A_422 = arith.addi %parallel_loop3A_421, %parallel_loop3A_168 : i32
      %parallel_loop3A_423 = arith.constant 3 : i32
      %parallel_loop3A_424 = arith.addi %parallel_loop3A_422, %parallel_loop3A_423 : i32
      %parallel_loop3A_425 = arith.index_cast %parallel_loop3A_424 : i32 to index
      %parallel_loop3A_426 = arith.constant 64 : index
      %parallel_loop3A_427 = tpu.vector_load %arg10[%parallel_loop3A_425, %parallel_loop3A_426] {strides = array<i32>} : memref<256x128xf32, #tpu.memory_space<vmem>>, vector<1x16xf32>,
      %parallel_loop3A_428 = vector.shape_cast %parallel_loop3A_427 : vector<1x16xf32> to vector<16xf32>
      %parallel_loop3A_429 = vector.shape_cast %broadcast_in_dim3A_7 : vector<16xf32> to vector<1x16xf32>
      tpu.vector_store %arg10[%parallel_loop3A_425, %parallel_loop3A_426], %parallel_loop3A_429 {strides = array<i32>} : memref<256x128xf32, #tpu.memory_space<vmem>>, vector<1x16xf32>,
      %parallel_loop3A_430 = arith.constant 192 : i32
      %parallel_loop3A_431 = arith.addi %parallel_loop3A_430, %parallel_loop3A_168 : i32
      %parallel_loop3A_432 = arith.constant 3 : i32
      %parallel_loop3A_433 = arith.addi %parallel_loop3A_431, %parallel_loop3A_432 : i32
      %parallel_loop3A_434 = arith.index_cast %parallel_loop3A_433 : i32 to index
      %parallel_loop3A_435 = arith.constant 80 : index
      %parallel_loop3A_436 = tpu.vector_load %arg10[%parallel_loop3A_434, %parallel_loop3A_435] {strides = array<i32>} : memref<256x128xf32, #tpu.memory_space<vmem>>, vector<1x16xf32>,
      %parallel_loop3A_437 = vector.shape_cast %parallel_loop3A_436 : vector<1x16xf32> to vector<16xf32>
      %parallel_loop3A_438 = vector.shape_cast %broadcast_in_dim3A_7 : vector<16xf32> to vector<1x16xf32>
      tpu.vector_store %arg10[%parallel_loop3A_434, %parallel_loop3A_435], %parallel_loop3A_438 {strides = array<i32>} : memref<256x128xf32, #tpu.memory_space<vmem>>, vector<1x16xf32>,
      %parallel_loop3A_439 = arith.constant 192 : i32
      %parallel_loop3A_440 = arith.addi %parallel_loop3A_439, %parallel_loop3A_168 : i32
      %parallel_loop3A_441 = arith.constant 3 : i32
      %parallel_loop3A_442 = arith.addi %parallel_loop3A_440, %parallel_loop3A_441 : i32
      %parallel_loop3A_443 = arith.index_cast %parallel_loop3A_442 : i32 to index
      %parallel_loop3A_444 = arith.constant 96 : index
      %parallel_loop3A_445 = tpu.vector_load %arg10[%parallel_loop3A_443, %parallel_loop3A_444] {strides = array<i32>} : memref<256x128xf32, #tpu.memory_space<vmem>>, vector<1x16xf32>,
      %parallel_loop3A_446 = vector.shape_cast %parallel_loop3A_445 : vector<1x16xf32> to vector<16xf32>
      %parallel_loop3A_447 = vector.shape_cast %broadcast_in_dim3A_7 : vector<16xf32> to vector<1x16xf32>
      tpu.vector_store %arg10[%parallel_loop3A_443, %parallel_loop3A_444], %parallel_loop3A_447 {strides = array<i32>} : memref<256x128xf32, #tpu.memory_space<vmem>>, vector<1x16xf32>,
      %parallel_loop3A_448 = arith.constant 192 : i32
      %parallel_loop3A_449 = arith.addi %parallel_loop3A_448, %parallel_loop3A_168 : i32
      %parallel_loop3A_450 = arith.constant 3 : i32
      %parallel_loop3A_451 = arith.addi %parallel_loop3A_449, %parallel_loop3A_450 : i32
      %parallel_loop3A_452 = arith.index_cast %parallel_loop3A_451 : i32 to index
      %parallel_loop3A_453 = arith.constant 112 : index
      %parallel_loop3A_454 = tpu.vector_load %arg10[%parallel_loop3A_452, %parallel_loop3A_453] {strides = array<i32>} : memref<256x128xf32, #tpu.memory_space<vmem>>, vector<1x16xf32>,
      %parallel_loop3A_455 = vector.shape_cast %parallel_loop3A_454 : vector<1x16xf32> to vector<16xf32>
      %parallel_loop3A_456 = vector.shape_cast %broadcast_in_dim3A_7 : vector<16xf32> to vector<1x16xf32>
      tpu.vector_store %arg10[%parallel_loop3A_452, %parallel_loop3A_453], %parallel_loop3A_456 {strides = array<i32>} : memref<256x128xf32, #tpu.memory_space<vmem>>, vector<1x16xf32>,
    } {sc.loop_unroll_factor = 1 : i64, sc.parallel_access}
    tpu.wait_dma2 semaphore(%arg11 : memref<!tpu.dma_semaphore, #tpu.memory_space<semaphore_mem>>) src(%arg2 : memref<3x128xf32, #tpu.memory_space<hbm>>) dst(%arg9 : memref<3x128xf32, #tpu.memory_space<vmem>>)
    %get3A = arith.constant 0 : i32
    %get3A_10 = arith.index_cast %get3A : i32 to index
    %get3A_11 = arith.constant 0 : index
    %get3A_12 = tpu.vector_load %arg9[%get3A_10, %get3A_11] {strides = array<i32>} : memref<3x128xf32, #tpu.memory_space<vmem>>, vector<1x16xf32>,
    %get3A_13 = vector.shape_cast %get3A_12 : vector<1x16xf32> to vector<16xf32>
    %get3A_14 = arith.constant 0 : i32
    %get3A_15 = arith.index_cast %get3A_14 : i32 to index
    %get3A_16 = arith.constant 16 : index
    %get3A_17 = tpu.vector_load %arg9[%get3A_15, %get3A_16] {strides = array<i32>} : memref<3x128xf32, #tpu.memory_space<vmem>>, vector<1x16xf32>,
    %get3A_18 = vector.shape_cast %get3A_17 : vector<1x16xf32> to vector<16xf32>
    %get3A_19 = arith.constant 0 : i32
    %get3A_20 = arith.index_cast %get3A_19 : i32 to index
    %get3A_21 = arith.constant 32 : index
    %get3A_22 = tpu.vector_load %arg9[%get3A_20, %get3A_21] {strides = array<i32>} : memref<3x128xf32, #tpu.memory_space<vmem>>, vector<1x16xf32>,
    %get3A_23 = vector.shape_cast %get3A_22 : vector<1x16xf32> to vector<16xf32>
    %get3A_24 = arith.constant 0 : i32
    %get3A_25 = arith.index_cast %get3A_24 : i32 to index
    %get3A_26 = arith.constant 48 : index
    %get3A_27 = tpu.vector_load %arg9[%get3A_25, %get3A_26] {strides = array<i32>} : memref<3x128xf32, #tpu.memory_space<vmem>>, vector<1x16xf32>,
    %get3A_28 = vector.shape_cast %get3A_27 : vector<1x16xf32> to vector<16xf32>
    %get3A_29 = arith.constant 0 : i32
    %get3A_30 = arith.index_cast %get3A_29 : i32 to index
    %get3A_31 = arith.constant 64 : index
    %get3A_32 = tpu.vector_load %arg9[%get3A_30, %get3A_31] {strides = array<i32>} : memref<3x128xf32, #tpu.memory_space<vmem>>, vector<1x16xf32>,
    %get3A_33 = vector.shape_cast %get3A_32 : vector<1x16xf32> to vector<16xf32>
    %get3A_34 = arith.constant 0 : i32
    %get3A_35 = arith.index_cast %get3A_34 : i32 to index
    %get3A_36 = arith.constant 80 : index
    %get3A_37 = tpu.vector_load %arg9[%get3A_35, %get3A_36] {strides = array<i32>} : memref<3x128xf32, #tpu.memory_space<vmem>>, vector<1x16xf32>,
    %get3A_38 = vector.shape_cast %get3A_37 : vector<1x16xf32> to vector<16xf32>
    %get3A_39 = arith.constant 0 : i32
    %get3A_40 = arith.index_cast %get3A_39 : i32 to index
    %get3A_41 = arith.constant 96 : index
    %get3A_42 = tpu.vector_load %arg9[%get3A_40, %get3A_41] {strides = array<i32>} : memref<3x128xf32, #tpu.memory_space<vmem>>, vector<1x16xf32>,
    %get3A_43 = vector.shape_cast %get3A_42 : vector<1x16xf32> to vector<16xf32>
    %get3A_44 = arith.constant 0 : i32
    %get3A_45 = arith.index_cast %get3A_44 : i32 to index
    %get3A_46 = arith.constant 112 : index
    %get3A_47 = tpu.vector_load %arg9[%get3A_45, %get3A_46] {strides = array<i32>} : memref<3x128xf32, #tpu.memory_space<vmem>>, vector<1x16xf32>,
    %get3A_48 = vector.shape_cast %get3A_47 : vector<1x16xf32> to vector<16xf32>
    %parallel_loop3A_49 = arith.constant 0 : i32
    %parallel_loop3A_50 = arith.constant 64 : i32
    %parallel_loop3A_51 = arith.constant 4 : i32
    scf.for %parallel_loop3A_168 = %parallel_loop3A_49 to %parallel_loop3A_50 step %parallel_loop3A_51  : i32 {
      %parallel_loop3A_169 = arith.constant 0 : i32
      %parallel_loop3A_170 = arith.addi %parallel_loop3A_169, %parallel_loop3A_168 : i32
      %parallel_loop3A_171 = arith.constant 0 : i32
      %parallel_loop3A_172 = arith.addi %parallel_loop3A_170, %parallel_loop3A_171 : i32
      %parallel_loop3A_173 = arith.index_cast %parallel_loop3A_172 : i32 to index
      %parallel_loop3A_174 = arith.constant 0 : index
      %parallel_loop3A_175 = tpu.vector_load %arg10[%parallel_loop3A_173, %parallel_loop3A_174] {strides = array<i32>} : memref<256x128xf32, #tpu.memory_space<vmem>>, vector<1x16xf32>,
      %parallel_loop3A_176 = vector.shape_cast %parallel_loop3A_175 : vector<1x16xf32> to vector<16xf32>
      %parallel_loop3A_177 = vector.shape_cast %get3A_13 : vector<16xf32> to vector<1x16xf32>
      tpu.vector_store %arg10[%parallel_loop3A_173, %parallel_loop3A_174], %parallel_loop3A_177 {strides = array<i32>} : memref<256x128xf32, #tpu.memory_space<vmem>>, vector<1x16xf32>,
      %parallel_loop3A_178 = arith.constant 0 : i32
      %parallel_loop3A_179 = arith.addi %parallel_loop3A_178, %parallel_loop3A_168 : i32
      %parallel_loop3A_180 = arith.constant 0 : i32
      %parallel_loop3A_181 = arith.addi %parallel_loop3A_179, %parallel_loop3A_180 : i32
      %parallel_loop3A_182 = arith.index_cast %parallel_loop3A_181 : i32 to index
      %parallel_loop3A_183 = arith.constant 16 : index
      %parallel_loop3A_184 = tpu.vector_load %arg10[%parallel_loop3A_182, %parallel_loop3A_183] {strides = array<i32>} : memref<256x128xf32, #tpu.memory_space<vmem>>, vector<1x16xf32>,
      %parallel_loop3A_185 = vector.shape_cast %parallel_loop3A_184 : vector<1x16xf32> to vector<16xf32>
      %parallel_loop3A_186 = vector.shape_cast %get3A_18 : vector<16xf32> to vector<1x16xf32>
      tpu.vector_store %arg10[%parallel_loop3A_182, %parallel_loop3A_183], %parallel_loop3A_186 {strides = array<i32>} : memref<256x128xf32, #tpu.memory_space<vmem>>, vector<1x16xf32>,
      %parallel_loop3A_187 = arith.constant 0 : i32
      %parallel_loop3A_188 = arith.addi %parallel_loop3A_187, %parallel_loop3A_168 : i32
      %parallel_loop3A_189 = arith.constant 0 : i32
      %parallel_loop3A_190 = arith.addi %parallel_loop3A_188, %parallel_loop3A_189 : i32
      %parallel_loop3A_191 = arith.index_cast %parallel_loop3A_190 : i32 to index
      %parallel_loop3A_192 = arith.constant 32 : index
      %parallel_loop3A_193 = tpu.vector_load %arg10[%parallel_loop3A_191, %parallel_loop3A_192] {strides = array<i32>} : memref<256x128xf32, #tpu.memory_space<vmem>>, vector<1x16xf32>,
      %parallel_loop3A_194 = vector.shape_cast %parallel_loop3A_193 : vector<1x16xf32> to vector<16xf32>
      %parallel_loop3A_195 = vector.shape_cast %get3A_23 : vector<16xf32> to vector<1x16xf32>
      tpu.vector_store %arg10[%parallel_loop3A_191, %parallel_loop3A_192], %parallel_loop3A_195 {strides = array<i32>} : memref<256x128xf32, #tpu.memory_space<vmem>>, vector<1x16xf32>,
      %parallel_loop3A_196 = arith.constant 0 : i32
      %parallel_loop3A_197 = arith.addi %parallel_loop3A_196, %parallel_loop3A_168 : i32
      %parallel_loop3A_198 = arith.constant 0 : i32
      %parallel_loop3A_199 = arith.addi %parallel_loop3A_197, %parallel_loop3A_198 : i32
      %parallel_loop3A_200 = arith.index_cast %parallel_loop3A_199 : i32 to index
      %parallel_loop3A_201 = arith.constant 48 : index
      %parallel_loop3A_202 = tpu.vector_load %arg10[%parallel_loop3A_200, %parallel_loop3A_201] {strides = array<i32>} : memref<256x128xf32, #tpu.memory_space<vmem>>, vector<1x16xf32>,
      %parallel_loop3A_203 = vector.shape_cast %parallel_loop3A_202 : vector<1x16xf32> to vector<16xf32>
      %parallel_loop3A_204 = vector.shape_cast %get3A_28 : vector<16xf32> to vector<1x16xf32>
      tpu.vector_store %arg10[%parallel_loop3A_200, %parallel_loop3A_201], %parallel_loop3A_204 {strides = array<i32>} : memref<256x128xf32, #tpu.memory_space<vmem>>, vector<1x16xf32>,
      %parallel_loop3A_205 = arith.constant 0 : i32
      %parallel_loop3A_206 = arith.addi %parallel_loop3A_205, %parallel_loop3A_168 : i32
      %parallel_loop3A_207 = arith.constant 0 : i32
      %parallel_loop3A_208 = arith.addi %parallel_loop3A_206, %parallel_loop3A_207 : i32
      %parallel_loop3A_209 = arith.index_cast %parallel_loop3A_208 : i32 to index
      %parallel_loop3A_210 = arith.constant 64 : index
      %parallel_loop3A_211 = tpu.vector_load %arg10[%parallel_loop3A_209, %parallel_loop3A_210] {strides = array<i32>} : memref<256x128xf32, #tpu.memory_space<vmem>>, vector<1x16xf32>,
      %parallel_loop3A_212 = vector.shape_cast %parallel_loop3A_211 : vector<1x16xf32> to vector<16xf32>
      %parallel_loop3A_213 = vector.shape_cast %get3A_33 : vector<16xf32> to vector<1x16xf32>
      tpu.vector_store %arg10[%parallel_loop3A_209, %parallel_loop3A_210], %parallel_loop3A_213 {strides = array<i32>} : memref<256x128xf32, #tpu.memory_space<vmem>>, vector<1x16xf32>,
      %parallel_loop3A_214 = arith.constant 0 : i32
      %parallel_loop3A_215 = arith.addi %parallel_loop3A_214, %parallel_loop3A_168 : i32
      %parallel_loop3A_216 = arith.constant 0 : i32
      %parallel_loop3A_217 = arith.addi %parallel_loop3A_215, %parallel_loop3A_216 : i32
      %parallel_loop3A_218 = arith.index_cast %parallel_loop3A_217 : i32 to index
      %parallel_loop3A_219 = arith.constant 80 : index
      %parallel_loop3A_220 = tpu.vector_load %arg10[%parallel_loop3A_218, %parallel_loop3A_219] {strides = array<i32>} : memref<256x128xf32, #tpu.memory_space<vmem>>, vector<1x16xf32>,
      %parallel_loop3A_221 = vector.shape_cast %parallel_loop3A_220 : vector<1x16xf32> to vector<16xf32>
      %parallel_loop3A_222 = vector.shape_cast %get3A_38 : vector<16xf32> to vector<1x16xf32>
      tpu.vector_store %arg10[%parallel_loop3A_218, %parallel_loop3A_219], %parallel_loop3A_222 {strides = array<i32>} : memref<256x128xf32, #tpu.memory_space<vmem>>, vector<1x16xf32>,
      %parallel_loop3A_223 = arith.constant 0 : i32
      %parallel_loop3A_224 = arith.addi %parallel_loop3A_223, %parallel_loop3A_168 : i32
      %parallel_loop3A_225 = arith.constant 0 : i32
      %parallel_loop3A_226 = arith.addi %parallel_loop3A_224, %parallel_loop3A_225 : i32
      %parallel_loop3A_227 = arith.index_cast %parallel_loop3A_226 : i32 to index
      %parallel_loop3A_228 = arith.constant 96 : index
      %parallel_loop3A_229 = tpu.vector_load %arg10[%parallel_loop3A_227, %parallel_loop3A_228] {strides = array<i32>} : memref<256x128xf32, #tpu.memory_space<vmem>>, vector<1x16xf32>,
      %parallel_loop3A_230 = vector.shape_cast %parallel_loop3A_229 : vector<1x16xf32> to vector<16xf32>
      %parallel_loop3A_231 = vector.shape_cast %get3A_43 : vector<16xf32> to vector<1x16xf32>
      tpu.vector_store %arg10[%parallel_loop3A_227, %parallel_loop3A_228], %parallel_loop3A_231 {strides = array<i32>} : memref<256x128xf32, #tpu.memory_space<vmem>>, vector<1x16xf32>,
      %parallel_loop3A_232 = arith.constant 0 : i32
      %parallel_loop3A_233 = arith.addi %parallel_loop3A_232, %parallel_loop3A_168 : i32
      %parallel_loop3A_234 = arith.constant 0 : i32
      %parallel_loop3A_235 = arith.addi %parallel_loop3A_233, %parallel_loop3A_234 : i32
      %parallel_loop3A_236 = arith.index_cast %parallel_loop3A_235 : i32 to index
      %parallel_loop3A_237 = arith.constant 112 : index
      %parallel_loop3A_238 = tpu.vector_load %arg10[%parallel_loop3A_236, %parallel_loop3A_237] {strides = array<i32>} : memref<256x128xf32, #tpu.memory_space<vmem>>, vector<1x16xf32>,
      %parallel_loop3A_239 = vector.shape_cast %parallel_loop3A_238 : vector<1x16xf32> to vector<16xf32>
      %parallel_loop3A_240 = vector.shape_cast %get3A_48 : vector<16xf32> to vector<1x16xf32>
      tpu.vector_store %arg10[%parallel_loop3A_236, %parallel_loop3A_237], %parallel_loop3A_240 {strides = array<i32>} : memref<256x128xf32, #tpu.memory_space<vmem>>, vector<1x16xf32>,
      %parallel_loop3A_241 = arith.constant 0 : i32
      %parallel_loop3A_242 = arith.addi %parallel_loop3A_241, %parallel_loop3A_168 : i32
      %parallel_loop3A_243 = arith.constant 1 : i32
      %parallel_loop3A_244 = arith.addi %parallel_loop3A_242, %parallel_loop3A_243 : i32
      %parallel_loop3A_245 = arith.index_cast %parallel_loop3A_244 : i32 to index
      %parallel_loop3A_246 = arith.constant 0 : index
      %parallel_loop3A_247 = tpu.vector_load %arg10[%parallel_loop3A_245, %parallel_loop3A_246] {strides = array<i32>} : memref<256x128xf32, #tpu.memory_space<vmem>>, vector<1x16xf32>,
      %parallel_loop3A_248 = vector.shape_cast %parallel_loop3A_247 : vector<1x16xf32> to vector<16xf32>
      %parallel_loop3A_249 = vector.shape_cast %get3A_13 : vector<16xf32> to vector<1x16xf32>
      tpu.vector_store %arg10[%parallel_loop3A_245, %parallel_loop3A_246], %parallel_loop3A_249 {strides = array<i32>} : memref<256x128xf32, #tpu.memory_space<vmem>>, vector<1x16xf32>,
      %parallel_loop3A_250 = arith.constant 0 : i32
      %parallel_loop3A_251 = arith.addi %parallel_loop3A_250, %parallel_loop3A_168 : i32
      %parallel_loop3A_252 = arith.constant 1 : i32
      %parallel_loop3A_253 = arith.addi %parallel_loop3A_251, %parallel_loop3A_252 : i32
      %parallel_loop3A_254 = arith.index_cast %parallel_loop3A_253 : i32 to index
      %parallel_loop3A_255 = arith.constant 16 : index
      %parallel_loop3A_256 = tpu.vector_load %arg10[%parallel_loop3A_254, %parallel_loop3A_255] {strides = array<i32>} : memref<256x128xf32, #tpu.memory_space<vmem>>, vector<1x16xf32>,
      %parallel_loop3A_257 = vector.shape_cast %parallel_loop3A_256 : vector<1x16xf32> to vector<16xf32>
      %parallel_loop3A_258 = vector.shape_cast %get3A_18 : vector<16xf32> to vector<1x16xf32>
      tpu.vector_store %arg10[%parallel_loop3A_254, %parallel_loop3A_255], %parallel_loop3A_258 {strides = array<i32>} : memref<256x128xf32, #tpu.memory_space<vmem>>, vector<1x16xf32>,
      %parallel_loop3A_259 = arith.constant 0 : i32
      %parallel_loop3A_260 = arith.addi %parallel_loop3A_259, %parallel_loop3A_168 : i32
      %parallel_loop3A_261 = arith.constant 1 : i32
      %parallel_loop3A_262 = arith.addi %parallel_loop3A_260, %parallel_loop3A_261 : i32
      %parallel_loop3A_263 = arith.index_cast %parallel_loop3A_262 : i32 to index
      %parallel_loop3A_264 = arith.constant 32 : index
      %parallel_loop3A_265 = tpu.vector_load %arg10[%parallel_loop3A_263, %parallel_loop3A_264] {strides = array<i32>} : memref<256x128xf32, #tpu.memory_space<vmem>>, vector<1x16xf32>,
      %parallel_loop3A_266 = vector.shape_cast %parallel_loop3A_265 : vector<1x16xf32> to vector<16xf32>
      %parallel_loop3A_267 = vector.shape_cast %get3A_23 : vector<16xf32> to vector<1x16xf32>
      tpu.vector_store %arg10[%parallel_loop3A_263, %parallel_loop3A_264], %parallel_loop3A_267 {strides = array<i32>} : memref<256x128xf32, #tpu.memory_space<vmem>>, vector<1x16xf32>,
      %parallel_loop3A_268 = arith.constant 0 : i32
      %parallel_loop3A_269 = arith.addi %parallel_loop3A_268, %parallel_loop3A_168 : i32
      %parallel_loop3A_270 = arith.constant 1 : i32
      %parallel_loop3A_271 = arith.addi %parallel_loop3A_269, %parallel_loop3A_270 : i32
      %parallel_loop3A_272 = arith.index_cast %parallel_loop3A_271 : i32 to index
      %parallel_loop3A_273 = arith.constant 48 : index
      %parallel_loop3A_274 = tpu.vector_load %arg10[%parallel_loop3A_272, %parallel_loop3A_273] {strides = array<i32>} : memref<256x128xf32, #tpu.memory_space<vmem>>, vector<1x16xf32>,
      %parallel_loop3A_275 = vector.shape_cast %parallel_loop3A_274 : vector<1x16xf32> to vector<16xf32>
      %parallel_loop3A_276 = vector.shape_cast %get3A_28 : vector<16xf32> to vector<1x16xf32>
      tpu.vector_store %arg10[%parallel_loop3A_272, %parallel_loop3A_273], %parallel_loop3A_276 {strides = array<i32>} : memref<256x128xf32, #tpu.memory_space<vmem>>, vector<1x16xf32>,
      %parallel_loop3A_277 = arith.constant 0 : i32
      %parallel_loop3A_278 = arith.addi %parallel_loop3A_277, %parallel_loop3A_168 : i32
      %parallel_loop3A_279 = arith.constant 1 : i32
      %parallel_loop3A_280 = arith.addi %parallel_loop3A_278, %parallel_loop3A_279 : i32
      %parallel_loop3A_281 = arith.index_cast %parallel_loop3A_280 : i32 to index
      %parallel_loop3A_282 = arith.constant 64 : index
      %parallel_loop3A_283 = tpu.vector_load %arg10[%parallel_loop3A_281, %parallel_loop3A_282] {strides = array<i32>} : memref<256x128xf32, #tpu.memory_space<vmem>>, vector<1x16xf32>,
      %parallel_loop3A_284 = vector.shape_cast %parallel_loop3A_283 : vector<1x16xf32> to vector<16xf32>
      %parallel_loop3A_285 = vector.shape_cast %get3A_33 : vector<16xf32> to vector<1x16xf32>
      tpu.vector_store %arg10[%parallel_loop3A_281, %parallel_loop3A_282], %parallel_loop3A_285 {strides = array<i32>} : memref<256x128xf32, #tpu.memory_space<vmem>>, vector<1x16xf32>,
      %parallel_loop3A_286 = arith.constant 0 : i32
      %parallel_loop3A_287 = arith.addi %parallel_loop3A_286, %parallel_loop3A_168 : i32
      %parallel_loop3A_288 = arith.constant 1 : i32
      %parallel_loop3A_289 = arith.addi %parallel_loop3A_287, %parallel_loop3A_288 : i32
      %parallel_loop3A_290 = arith.index_cast %parallel_loop3A_289 : i32 to index
      %parallel_loop3A_291 = arith.constant 80 : index
      %parallel_loop3A_292 = tpu.vector_load %arg10[%parallel_loop3A_290, %parallel_loop3A_291] {strides = array<i32>} : memref<256x128xf32, #tpu.memory_space<vmem>>, vector<1x16xf32>,
      %parallel_loop3A_293 = vector.shape_cast %parallel_loop3A_292 : vector<1x16xf32> to vector<16xf32>
      %parallel_loop3A_294 = vector.shape_cast %get3A_38 : vector<16xf32> to vector<1x16xf32>
      tpu.vector_store %arg10[%parallel_loop3A_290, %parallel_loop3A_291], %parallel_loop3A_294 {strides = array<i32>} : memref<256x128xf32, #tpu.memory_space<vmem>>, vector<1x16xf32>,
      %parallel_loop3A_295 = arith.constant 0 : i32
      %parallel_loop3A_296 = arith.addi %parallel_loop3A_295, %parallel_loop3A_168 : i32
      %parallel_loop3A_297 = arith.constant 1 : i32
      %parallel_loop3A_298 = arith.addi %parallel_loop3A_296, %parallel_loop3A_297 : i32
      %parallel_loop3A_299 = arith.index_cast %parallel_loop3A_298 : i32 to index
      %parallel_loop3A_300 = arith.constant 96 : index
      %parallel_loop3A_301 = tpu.vector_load %arg10[%parallel_loop3A_299, %parallel_loop3A_300] {strides = array<i32>} : memref<256x128xf32, #tpu.memory_space<vmem>>, vector<1x16xf32>,
      %parallel_loop3A_302 = vector.shape_cast %parallel_loop3A_301 : vector<1x16xf32> to vector<16xf32>
      %parallel_loop3A_303 = vector.shape_cast %get3A_43 : vector<16xf32> to vector<1x16xf32>
      tpu.vector_store %arg10[%parallel_loop3A_299, %parallel_loop3A_300], %parallel_loop3A_303 {strides = array<i32>} : memref<256x128xf32, #tpu.memory_space<vmem>>, vector<1x16xf32>,
      %parallel_loop3A_304 = arith.constant 0 : i32
      %parallel_loop3A_305 = arith.addi %parallel_loop3A_304, %parallel_loop3A_168 : i32
      %parallel_loop3A_306 = arith.constant 1 : i32
      %parallel_loop3A_307 = arith.addi %parallel_loop3A_305, %parallel_loop3A_306 : i32
      %parallel_loop3A_308 = arith.index_cast %parallel_loop3A_307 : i32 to index
      %parallel_loop3A_309 = arith.constant 112 : index
      %parallel_loop3A_310 = tpu.vector_load %arg10[%parallel_loop3A_308, %parallel_loop3A_309] {strides = array<i32>} : memref<256x128xf32, #tpu.memory_space<vmem>>, vector<1x16xf32>,
      %parallel_loop3A_311 = vector.shape_cast %parallel_loop3A_310 : vector<1x16xf32> to vector<16xf32>
      %parallel_loop3A_312 = vector.shape_cast %get3A_48 : vector<16xf32> to vector<1x16xf32>
      tpu.vector_store %arg10[%parallel_loop3A_308, %parallel_loop3A_309], %parallel_loop3A_312 {strides = array<i32>} : memref<256x128xf32, #tpu.memory_space<vmem>>, vector<1x16xf32>,
      %parallel_loop3A_313 = arith.constant 0 : i32
      %parallel_loop3A_314 = arith.addi %parallel_loop3A_313, %parallel_loop3A_168 : i32
      %parallel_loop3A_315 = arith.constant 2 : i32
      %parallel_loop3A_316 = arith.addi %parallel_loop3A_314, %parallel_loop3A_315 : i32
      %parallel_loop3A_317 = arith.index_cast %parallel_loop3A_316 : i32 to index
      %parallel_loop3A_318 = arith.constant 0 : index
      %parallel_loop3A_319 = tpu.vector_load %arg10[%parallel_loop3A_317, %parallel_loop3A_318] {strides = array<i32>} : memref<256x128xf32, #tpu.memory_space<vmem>>, vector<1x16xf32>,
      %parallel_loop3A_320 = vector.shape_cast %parallel_loop3A_319 : vector<1x16xf32> to vector<16xf32>
      %parallel_loop3A_321 = vector.shape_cast %get3A_13 : vector<16xf32> to vector<1x16xf32>
      tpu.vector_store %arg10[%parallel_loop3A_317, %parallel_loop3A_318], %parallel_loop3A_321 {strides = array<i32>} : memref<256x128xf32, #tpu.memory_space<vmem>>, vector<1x16xf32>,
      %parallel_loop3A_322 = arith.constant 0 : i32
      %parallel_loop3A_323 = arith.addi %parallel_loop3A_322, %parallel_loop3A_168 : i32
      %parallel_loop3A_324 = arith.constant 2 : i32
      %parallel_loop3A_325 = arith.addi %parallel_loop3A_323, %parallel_loop3A_324 : i32
      %parallel_loop3A_326 = arith.index_cast %parallel_loop3A_325 : i32 to index
      %parallel_loop3A_327 = arith.constant 16 : index
      %parallel_loop3A_328 = tpu.vector_load %arg10[%parallel_loop3A_326, %parallel_loop3A_327] {strides = array<i32>} : memref<256x128xf32, #tpu.memory_space<vmem>>, vector<1x16xf32>,
      %parallel_loop3A_329 = vector.shape_cast %parallel_loop3A_328 : vector<1x16xf32> to vector<16xf32>
      %parallel_loop3A_330 = vector.shape_cast %get3A_18 : vector<16xf32> to vector<1x16xf32>
      tpu.vector_store %arg10[%parallel_loop3A_326, %parallel_loop3A_327], %parallel_loop3A_330 {strides = array<i32>} : memref<256x128xf32, #tpu.memory_space<vmem>>, vector<1x16xf32>,
      %parallel_loop3A_331 = arith.constant 0 : i32
      %parallel_loop3A_332 = arith.addi %parallel_loop3A_331, %parallel_loop3A_168 : i32
      %parallel_loop3A_333 = arith.constant 2 : i32
      %parallel_loop3A_334 = arith.addi %parallel_loop3A_332, %parallel_loop3A_333 : i32
      %parallel_loop3A_335 = arith.index_cast %parallel_loop3A_334 : i32 to index
      %parallel_loop3A_336 = arith.constant 32 : index
      %parallel_loop3A_337 = tpu.vector_load %arg10[%parallel_loop3A_335, %parallel_loop3A_336] {strides = array<i32>} : memref<256x128xf32, #tpu.memory_space<vmem>>, vector<1x16xf32>,
      %parallel_loop3A_338 = vector.shape_cast %parallel_loop3A_337 : vector<1x16xf32> to vector<16xf32>
      %parallel_loop3A_339 = vector.shape_cast %get3A_23 : vector<16xf32> to vector<1x16xf32>
      tpu.vector_store %arg10[%parallel_loop3A_335, %parallel_loop3A_336], %parallel_loop3A_339 {strides = array<i32>} : memref<256x128xf32, #tpu.memory_space<vmem>>, vector<1x16xf32>,
      %parallel_loop3A_340 = arith.constant 0 : i32
      %parallel_loop3A_341 = arith.addi %parallel_loop3A_340, %parallel_loop3A_168 : i32
      %parallel_loop3A_342 = arith.constant 2 : i32
      %parallel_loop3A_343 = arith.addi %parallel_loop3A_341, %parallel_loop3A_342 : i32
      %parallel_loop3A_344 = arith.index_cast %parallel_loop3A_343 : i32 to index
      %parallel_loop3A_345 = arith.constant 48 : index
      %parallel_loop3A_346 = tpu.vector_load %arg10[%parallel_loop3A_344, %parallel_loop3A_345] {strides = array<i32>} : memref<256x128xf32, #tpu.memory_space<vmem>>, vector<1x16xf32>,
      %parallel_loop3A_347 = vector.shape_cast %parallel_loop3A_346 : vector<1x16xf32> to vector<16xf32>
      %parallel_loop3A_348 = vector.shape_cast %get3A_28 : vector<16xf32> to vector<1x16xf32>
      tpu.vector_store %arg10[%parallel_loop3A_344, %parallel_loop3A_345], %parallel_loop3A_348 {strides = array<i32>} : memref<256x128xf32, #tpu.memory_space<vmem>>, vector<1x16xf32>,
      %parallel_loop3A_349 = arith.constant 0 : i32
      %parallel_loop3A_350 = arith.addi %parallel_loop3A_349, %parallel_loop3A_168 : i32
      %parallel_loop3A_351 = arith.constant 2 : i32
      %parallel_loop3A_352 = arith.addi %parallel_loop3A_350, %parallel_loop3A_351 : i32
      %parallel_loop3A_353 = arith.index_cast %parallel_loop3A_352 : i32 to index
      %parallel_loop3A_354 = arith.constant 64 : index
      %parallel_loop3A_355 = tpu.vector_load %arg10[%parallel_loop3A_353, %parallel_loop3A_354] {strides = array<i32>} : memref<256x128xf32, #tpu.memory_space<vmem>>, vector<1x16xf32>,
      %parallel_loop3A_356 = vector.shape_cast %parallel_loop3A_355 : vector<1x16xf32> to vector<16xf32>
      %parallel_loop3A_357 = vector.shape_cast %get3A_33 : vector<16xf32> to vector<1x16xf32>
      tpu.vector_store %arg10[%parallel_loop3A_353, %parallel_loop3A_354], %parallel_loop3A_357 {strides = array<i32>} : memref<256x128xf32, #tpu.memory_space<vmem>>, vector<1x16xf32>,
      %parallel_loop3A_358 = arith.constant 0 : i32
      %parallel_loop3A_359 = arith.addi %parallel_loop3A_358, %parallel_loop3A_168 : i32
      %parallel_loop3A_360 = arith.constant 2 : i32
      %parallel_loop3A_361 = arith.addi %parallel_loop3A_359, %parallel_loop3A_360 : i32
      %parallel_loop3A_362 = arith.index_cast %parallel_loop3A_361 : i32 to index
      %parallel_loop3A_363 = arith.constant 80 : index
      %parallel_loop3A_364 = tpu.vector_load %arg10[%parallel_loop3A_362, %parallel_loop3A_363] {strides = array<i32>} : memref<256x128xf32, #tpu.memory_space<vmem>>, vector<1x16xf32>,
      %parallel_loop3A_365 = vector.shape_cast %parallel_loop3A_364 : vector<1x16xf32> to vector<16xf32>
      %parallel_loop3A_366 = vector.shape_cast %get3A_38 : vector<16xf32> to vector<1x16xf32>
      tpu.vector_store %arg10[%parallel_loop3A_362, %parallel_loop3A_363], %parallel_loop3A_366 {strides = array<i32>} : memref<256x128xf32, #tpu.memory_space<vmem>>, vector<1x16xf32>,
      %parallel_loop3A_367 = arith.constant 0 : i32
      %parallel_loop3A_368 = arith.addi %parallel_loop3A_367, %parallel_loop3A_168 : i32
      %parallel_loop3A_369 = arith.constant 2 : i32
      %parallel_loop3A_370 = arith.addi %parallel_loop3A_368, %parallel_loop3A_369 : i32
      %parallel_loop3A_371 = arith.index_cast %parallel_loop3A_370 : i32 to index
      %parallel_loop3A_372 = arith.constant 96 : index
      %parallel_loop3A_373 = tpu.vector_load %arg10[%parallel_loop3A_371, %parallel_loop3A_372] {strides = array<i32>} : memref<256x128xf32, #tpu.memory_space<vmem>>, vector<1x16xf32>,
      %parallel_loop3A_374 = vector.shape_cast %parallel_loop3A_373 : vector<1x16xf32> to vector<16xf32>
      %parallel_loop3A_375 = vector.shape_cast %get3A_43 : vector<16xf32> to vector<1x16xf32>
      tpu.vector_store %arg10[%parallel_loop3A_371, %parallel_loop3A_372], %parallel_loop3A_375 {strides = array<i32>} : memref<256x128xf32, #tpu.memory_space<vmem>>, vector<1x16xf32>,
      %parallel_loop3A_376 = arith.constant 0 : i32
      %parallel_loop3A_377 = arith.addi %parallel_loop3A_376, %parallel_loop3A_168 : i32
      %parallel_loop3A_378 = arith.constant 2 : i32
      %parallel_loop3A_379 = arith.addi %parallel_loop3A_377, %parallel_loop3A_378 : i32
      %parallel_loop3A_380 = arith.index_cast %parallel_loop3A_379 : i32 to index
      %parallel_loop3A_381 = arith.constant 112 : index
      %parallel_loop3A_382 = tpu.vector_load %arg10[%parallel_loop3A_380, %parallel_loop3A_381] {strides = array<i32>} : memref<256x128xf32, #tpu.memory_space<vmem>>, vector<1x16xf32>,
      %parallel_loop3A_383 = vector.shape_cast %parallel_loop3A_382 : vector<1x16xf32> to vector<16xf32>
      %parallel_loop3A_384 = vector.shape_cast %get3A_48 : vector<16xf32> to vector<1x16xf32>
      tpu.vector_store %arg10[%parallel_loop3A_380, %parallel_loop3A_381], %parallel_loop3A_384 {strides = array<i32>} : memref<256x128xf32, #tpu.memory_space<vmem>>, vector<1x16xf32>,
      %parallel_loop3A_385 = arith.constant 0 : i32
      %parallel_loop3A_386 = arith.addi %parallel_loop3A_385, %parallel_loop3A_168 : i32
      %parallel_loop3A_387 = arith.constant 3 : i32
      %parallel_loop3A_388 = arith.addi %parallel_loop3A_386, %parallel_loop3A_387 : i32
      %parallel_loop3A_389 = arith.index_cast %parallel_loop3A_388 : i32 to index
      %parallel_loop3A_390 = arith.constant 0 : index
      %parallel_loop3A_391 = tpu.vector_load %arg10[%parallel_loop3A_389, %parallel_loop3A_390] {strides = array<i32>} : memref<256x128xf32, #tpu.memory_space<vmem>>, vector<1x16xf32>,
      %parallel_loop3A_392 = vector.shape_cast %parallel_loop3A_391 : vector<1x16xf32> to vector<16xf32>
      %parallel_loop3A_393 = vector.shape_cast %get3A_13 : vector<16xf32> to vector<1x16xf32>
      tpu.vector_store %arg10[%parallel_loop3A_389, %parallel_loop3A_390], %parallel_loop3A_393 {strides = array<i32>} : memref<256x128xf32, #tpu.memory_space<vmem>>, vector<1x16xf32>,
      %parallel_loop3A_394 = arith.constant 0 : i32
      %parallel_loop3A_395 = arith.addi %parallel_loop3A_394, %parallel_loop3A_168 : i32
      %parallel_loop3A_396 = arith.constant 3 : i32
      %parallel_loop3A_397 = arith.addi %parallel_loop3A_395, %parallel_loop3A_396 : i32
      %parallel_loop3A_398 = arith.index_cast %parallel_loop3A_397 : i32 to index
      %parallel_loop3A_399 = arith.constant 16 : index
      %parallel_loop3A_400 = tpu.vector_load %arg10[%parallel_loop3A_398, %parallel_loop3A_399] {strides = array<i32>} : memref<256x128xf32, #tpu.memory_space<vmem>>, vector<1x16xf32>,
      %parallel_loop3A_401 = vector.shape_cast %parallel_loop3A_400 : vector<1x16xf32> to vector<16xf32>
      %parallel_loop3A_402 = vector.shape_cast %get3A_18 : vector<16xf32> to vector<1x16xf32>
      tpu.vector_store %arg10[%parallel_loop3A_398, %parallel_loop3A_399], %parallel_loop3A_402 {strides = array<i32>} : memref<256x128xf32, #tpu.memory_space<vmem>>, vector<1x16xf32>,
      %parallel_loop3A_403 = arith.constant 0 : i32
      %parallel_loop3A_404 = arith.addi %parallel_loop3A_403, %parallel_loop3A_168 : i32
      %parallel_loop3A_405 = arith.constant 3 : i32
      %parallel_loop3A_406 = arith.addi %parallel_loop3A_404, %parallel_loop3A_405 : i32
      %parallel_loop3A_407 = arith.index_cast %parallel_loop3A_406 : i32 to index
      %parallel_loop3A_408 = arith.constant 32 : index
      %parallel_loop3A_409 = tpu.vector_load %arg10[%parallel_loop3A_407, %parallel_loop3A_408] {strides = array<i32>} : memref<256x128xf32, #tpu.memory_space<vmem>>, vector<1x16xf32>,
      %parallel_loop3A_410 = vector.shape_cast %parallel_loop3A_409 : vector<1x16xf32> to vector<16xf32>
      %parallel_loop3A_411 = vector.shape_cast %get3A_23 : vector<16xf32> to vector<1x16xf32>
      tpu.vector_store %arg10[%parallel_loop3A_407, %parallel_loop3A_408], %parallel_loop3A_411 {strides = array<i32>} : memref<256x128xf32, #tpu.memory_space<vmem>>, vector<1x16xf32>,
      %parallel_loop3A_412 = arith.constant 0 : i32
      %parallel_loop3A_413 = arith.addi %parallel_loop3A_412, %parallel_loop3A_168 : i32
      %parallel_loop3A_414 = arith.constant 3 : i32
      %parallel_loop3A_415 = arith.addi %parallel_loop3A_413, %parallel_loop3A_414 : i32
      %parallel_loop3A_416 = arith.index_cast %parallel_loop3A_415 : i32 to index
      %parallel_loop3A_417 = arith.constant 48 : index
      %parallel_loop3A_418 = tpu.vector_load %arg10[%parallel_loop3A_416, %parallel_loop3A_417] {strides = array<i32>} : memref<256x128xf32, #tpu.memory_space<vmem>>, vector<1x16xf32>,
      %parallel_loop3A_419 = vector.shape_cast %parallel_loop3A_418 : vector<1x16xf32> to vector<16xf32>
      %parallel_loop3A_420 = vector.shape_cast %get3A_28 : vector<16xf32> to vector<1x16xf32>
      tpu.vector_store %arg10[%parallel_loop3A_416, %parallel_loop3A_417], %parallel_loop3A_420 {strides = array<i32>} : memref<256x128xf32, #tpu.memory_space<vmem>>, vector<1x16xf32>,
      %parallel_loop3A_421 = arith.constant 0 : i32
      %parallel_loop3A_422 = arith.addi %parallel_loop3A_421, %parallel_loop3A_168 : i32
      %parallel_loop3A_423 = arith.constant 3 : i32
      %parallel_loop3A_424 = arith.addi %parallel_loop3A_422, %parallel_loop3A_423 : i32
      %parallel_loop3A_425 = arith.index_cast %parallel_loop3A_424 : i32 to index
      %parallel_loop3A_426 = arith.constant 64 : index
      %parallel_loop3A_427 = tpu.vector_load %arg10[%parallel_loop3A_425, %parallel_loop3A_426] {strides = array<i32>} : memref<256x128xf32, #tpu.memory_space<vmem>>, vector<1x16xf32>,
      %parallel_loop3A_428 = vector.shape_cast %parallel_loop3A_427 : vector<1x16xf32> to vector<16xf32>
      %parallel_loop3A_429 = vector.shape_cast %get3A_33 : vector<16xf32> to vector<1x16xf32>
      tpu.vector_store %arg10[%parallel_loop3A_425, %parallel_loop3A_426], %parallel_loop3A_429 {strides = array<i32>} : memref<256x128xf32, #tpu.memory_space<vmem>>, vector<1x16xf32>,
      %parallel_loop3A_430 = arith.constant 0 : i32
      %parallel_loop3A_431 = arith.addi %parallel_loop3A_430, %parallel_loop3A_168 : i32
      %parallel_loop3A_432 = arith.constant 3 : i32
      %parallel_loop3A_433 = arith.addi %parallel_loop3A_431, %parallel_loop3A_432 : i32
      %parallel_loop3A_434 = arith.index_cast %parallel_loop3A_433 : i32 to index
      %parallel_loop3A_435 = arith.constant 80 : index
      %parallel_loop3A_436 = tpu.vector_load %arg10[%parallel_loop3A_434, %parallel_loop3A_435] {strides = array<i32>} : memref<256x128xf32, #tpu.memory_space<vmem>>, vector<1x16xf32>,
      %parallel_loop3A_437 = vector.shape_cast %parallel_loop3A_436 : vector<1x16xf32> to vector<16xf32>
      %parallel_loop3A_438 = vector.shape_cast %get3A_38 : vector<16xf32> to vector<1x16xf32>
      tpu.vector_store %arg10[%parallel_loop3A_434, %parallel_loop3A_435], %parallel_loop3A_438 {strides = array<i32>} : memref<256x128xf32, #tpu.memory_space<vmem>>, vector<1x16xf32>,
      %parallel_loop3A_439 = arith.constant 0 : i32
      %parallel_loop3A_440 = arith.addi %parallel_loop3A_439, %parallel_loop3A_168 : i32
      %parallel_loop3A_441 = arith.constant 3 : i32
      %parallel_loop3A_442 = arith.addi %parallel_loop3A_440, %parallel_loop3A_441 : i32
      %parallel_loop3A_443 = arith.index_cast %parallel_loop3A_442 : i32 to index
      %parallel_loop3A_444 = arith.constant 96 : index
      %parallel_loop3A_445 = tpu.vector_load %arg10[%parallel_loop3A_443, %parallel_loop3A_444] {strides = array<i32>} : memref<256x128xf32, #tpu.memory_space<vmem>>, vector<1x16xf32>,
      %parallel_loop3A_446 = vector.shape_cast %parallel_loop3A_445 : vector<1x16xf32> to vector<16xf32>
      %parallel_loop3A_447 = vector.shape_cast %get3A_43 : vector<16xf32> to vector<1x16xf32>
      tpu.vector_store %arg10[%parallel_loop3A_443, %parallel_loop3A_444], %parallel_loop3A_447 {strides = array<i32>} : memref<256x128xf32, #tpu.memory_space<vmem>>, vector<1x16xf32>,
      %parallel_loop3A_448 = arith.constant 0 : i32
      %parallel_loop3A_449 = arith.addi %parallel_loop3A_448, %parallel_loop3A_168 : i32
      %parallel_loop3A_450 = arith.constant 3 : i32
      %parallel_loop3A_451 = arith.addi %parallel_loop3A_449, %parallel_loop3A_450 : i32
      %parallel_loop3A_452 = arith.index_cast %parallel_loop3A_451 : i32 to index
      %parallel_loop3A_453 = arith.constant 112 : index
      %parallel_loop3A_454 = tpu.vector_load %arg10[%parallel_loop3A_452, %parallel_loop3A_453] {strides = array<i32>} : memref<256x128xf32, #tpu.memory_space<vmem>>, vector<1x16xf32>,
      %parallel_loop3A_455 = vector.shape_cast %parallel_loop3A_454 : vector<1x16xf32> to vector<16xf32>
      %parallel_loop3A_456 = vector.shape_cast %get3A_48 : vector<16xf32> to vector<1x16xf32>
      tpu.vector_store %arg10[%parallel_loop3A_452, %parallel_loop3A_453], %parallel_loop3A_456 {strides = array<i32>} : memref<256x128xf32, #tpu.memory_space<vmem>>, vector<1x16xf32>,
    } {sc.loop_unroll_factor = 1 : i64, sc.parallel_access}
    %get3A_52 = arith.constant 1 : i32
    %get3A_53 = arith.index_cast %get3A_52 : i32 to index
    %get3A_54 = arith.constant 0 : index
    %get3A_55 = tpu.vector_load %arg9[%get3A_53, %get3A_54] {strides = array<i32>} : memref<3x128xf32, #tpu.memory_space<vmem>>, vector<1x16xf32>,
    %get3A_56 = vector.shape_cast %get3A_55 : vector<1x16xf32> to vector<16xf32>
    %get3A_57 = arith.constant 1 : i32
    %get3A_58 = arith.index_cast %get3A_57 : i32 to index
    %get3A_59 = arith.constant 16 : index
    %get3A_60 = tpu.vector_load %arg9[%get3A_58, %get3A_59] {strides = array<i32>} : memref<3x128xf32, #tpu.memory_space<vmem>>, vector<1x16xf32>,
    %get3A_61 = vector.shape_cast %get3A_60 : vector<1x16xf32> to vector<16xf32>
    %get3A_62 = arith.constant 1 : i32
    %get3A_63 = arith.index_cast %get3A_62 : i32 to index
    %get3A_64 = arith.constant 32 : index
    %get3A_65 = tpu.vector_load %arg9[%get3A_63, %get3A_64] {strides = array<i32>} : memref<3x128xf32, #tpu.memory_space<vmem>>, vector<1x16xf32>,
    %get3A_66 = vector.shape_cast %get3A_65 : vector<1x16xf32> to vector<16xf32>
    %get3A_67 = arith.constant 1 : i32
    %get3A_68 = arith.index_cast %get3A_67 : i32 to index
    %get3A_69 = arith.constant 48 : index
    %get3A_70 = tpu.vector_load %arg9[%get3A_68, %get3A_69] {strides = array<i32>} : memref<3x128xf32, #tpu.memory_space<vmem>>, vector<1x16xf32>,
    %get3A_71 = vector.shape_cast %get3A_70 : vector<1x16xf32> to vector<16xf32>
    %get3A_72 = arith.constant 1 : i32
    %get3A_73 = arith.index_cast %get3A_72 : i32 to index
    %get3A_74 = arith.constant 64 : index
    %get3A_75 = tpu.vector_load %arg9[%get3A_73, %get3A_74] {strides = array<i32>} : memref<3x128xf32, #tpu.memory_space<vmem>>, vector<1x16xf32>,
    %get3A_76 = vector.shape_cast %get3A_75 : vector<1x16xf32> to vector<16xf32>
    %get3A_77 = arith.constant 1 : i32
    %get3A_78 = arith.index_cast %get3A_77 : i32 to index
    %get3A_79 = arith.constant 80 : index
    %get3A_80 = tpu.vector_load %arg9[%get3A_78, %get3A_79] {strides = array<i32>} : memref<3x128xf32, #tpu.memory_space<vmem>>, vector<1x16xf32>,
    %get3A_81 = vector.shape_cast %get3A_80 : vector<1x16xf32> to vector<16xf32>
    %get3A_82 = arith.constant 1 : i32
    %get3A_83 = arith.index_cast %get3A_82 : i32 to index
    %get3A_84 = arith.constant 96 : index
    %get3A_85 = tpu.vector_load %arg9[%get3A_83, %get3A_84] {strides = array<i32>} : memref<3x128xf32, #tpu.memory_space<vmem>>, vector<1x16xf32>,
    %get3A_86 = vector.shape_cast %get3A_85 : vector<1x16xf32> to vector<16xf32>
    %get3A_87 = arith.constant 1 : i32
    %get3A_88 = arith.index_cast %get3A_87 : i32 to index
    %get3A_89 = arith.constant 112 : index
    %get3A_90 = tpu.vector_load %arg9[%get3A_88, %get3A_89] {strides = array<i32>} : memref<3x128xf32, #tpu.memory_space<vmem>>, vector<1x16xf32>,
    %get3A_91 = vector.shape_cast %get3A_90 : vector<1x16xf32> to vector<16xf32>
    %parallel_loop3A_92 = arith.constant 0 : i32
    %parallel_loop3A_93 = arith.constant 64 : i32
    %parallel_loop3A_94 = arith.constant 4 : i32
    scf.for %parallel_loop3A_168 = %parallel_loop3A_92 to %parallel_loop3A_93 step %parallel_loop3A_94  : i32 {
      %parallel_loop3A_169 = arith.constant 64 : i32
      %parallel_loop3A_170 = arith.addi %parallel_loop3A_169, %parallel_loop3A_168 : i32
      %parallel_loop3A_171 = arith.constant 0 : i32
      %parallel_loop3A_172 = arith.addi %parallel_loop3A_170, %parallel_loop3A_171 : i32
      %parallel_loop3A_173 = arith.index_cast %parallel_loop3A_172 : i32 to index
      %parallel_loop3A_174 = arith.constant 0 : index
      %parallel_loop3A_175 = tpu.vector_load %arg10[%parallel_loop3A_173, %parallel_loop3A_174] {strides = array<i32>} : memref<256x128xf32, #tpu.memory_space<vmem>>, vector<1x16xf32>,
      %parallel_loop3A_176 = vector.shape_cast %parallel_loop3A_175 : vector<1x16xf32> to vector<16xf32>
      %parallel_loop3A_177 = vector.shape_cast %get3A_56 : vector<16xf32> to vector<1x16xf32>
      tpu.vector_store %arg10[%parallel_loop3A_173, %parallel_loop3A_174], %parallel_loop3A_177 {strides = array<i32>} : memref<256x128xf32, #tpu.memory_space<vmem>>, vector<1x16xf32>,
      %parallel_loop3A_178 = arith.constant 64 : i32
      %parallel_loop3A_179 = arith.addi %parallel_loop3A_178, %parallel_loop3A_168 : i32
      %parallel_loop3A_180 = arith.constant 0 : i32
      %parallel_loop3A_181 = arith.addi %parallel_loop3A_179, %parallel_loop3A_180 : i32
      %parallel_loop3A_182 = arith.index_cast %parallel_loop3A_181 : i32 to index
      %parallel_loop3A_183 = arith.constant 16 : index
      %parallel_loop3A_184 = tpu.vector_load %arg10[%parallel_loop3A_182, %parallel_loop3A_183] {strides = array<i32>} : memref<256x128xf32, #tpu.memory_space<vmem>>, vector<1x16xf32>,
      %parallel_loop3A_185 = vector.shape_cast %parallel_loop3A_184 : vector<1x16xf32> to vector<16xf32>
      %parallel_loop3A_186 = vector.shape_cast %get3A_61 : vector<16xf32> to vector<1x16xf32>
      tpu.vector_store %arg10[%parallel_loop3A_182, %parallel_loop3A_183], %parallel_loop3A_186 {strides = array<i32>} : memref<256x128xf32, #tpu.memory_space<vmem>>, vector<1x16xf32>,
      %parallel_loop3A_187 = arith.constant 64 : i32
      %parallel_loop3A_188 = arith.addi %parallel_loop3A_187, %parallel_loop3A_168 : i32
      %parallel_loop3A_189 = arith.constant 0 : i32
      %parallel_loop3A_190 = arith.addi %parallel_loop3A_188, %parallel_loop3A_189 : i32
      %parallel_loop3A_191 = arith.index_cast %parallel_loop3A_190 : i32 to index
      %parallel_loop3A_192 = arith.constant 32 : index
      %parallel_loop3A_193 = tpu.vector_load %arg10[%parallel_loop3A_191, %parallel_loop3A_192] {strides = array<i32>} : memref<256x128xf32, #tpu.memory_space<vmem>>, vector<1x16xf32>,
      %parallel_loop3A_194 = vector.shape_cast %parallel_loop3A_193 : vector<1x16xf32> to vector<16xf32>
      %parallel_loop3A_195 = vector.shape_cast %get3A_66 : vector<16xf32> to vector<1x16xf32>
      tpu.vector_store %arg10[%parallel_loop3A_191, %parallel_loop3A_192], %parallel_loop3A_195 {strides = array<i32>} : memref<256x128xf32, #tpu.memory_space<vmem>>, vector<1x16xf32>,
      %parallel_loop3A_196 = arith.constant 64 : i32
      %parallel_loop3A_197 = arith.addi %parallel_loop3A_196, %parallel_loop3A_168 : i32
      %parallel_loop3A_198 = arith.constant 0 : i32
      %parallel_loop3A_199 = arith.addi %parallel_loop3A_197, %parallel_loop3A_198 : i32
      %parallel_loop3A_200 = arith.index_cast %parallel_loop3A_199 : i32 to index
      %parallel_loop3A_201 = arith.constant 48 : index
      %parallel_loop3A_202 = tpu.vector_load %arg10[%parallel_loop3A_200, %parallel_loop3A_201] {strides = array<i32>} : memref<256x128xf32, #tpu.memory_space<vmem>>, vector<1x16xf32>,
      %parallel_loop3A_203 = vector.shape_cast %parallel_loop3A_202 : vector<1x16xf32> to vector<16xf32>
      %parallel_loop3A_204 = vector.shape_cast %get3A_71 : vector<16xf32> to vector<1x16xf32>
      tpu.vector_store %arg10[%parallel_loop3A_200, %parallel_loop3A_201], %parallel_loop3A_204 {strides = array<i32>} : memref<256x128xf32, #tpu.memory_space<vmem>>, vector<1x16xf32>,
      %parallel_loop3A_205 = arith.constant 64 : i32
      %parallel_loop3A_206 = arith.addi %parallel_loop3A_205, %parallel_loop3A_168 : i32
      %parallel_loop3A_207 = arith.constant 0 : i32
      %parallel_loop3A_208 = arith.addi %parallel_loop3A_206, %parallel_loop3A_207 : i32
      %parallel_loop3A_209 = arith.index_cast %parallel_loop3A_208 : i32 to index
      %parallel_loop3A_210 = arith.constant 64 : index
      %parallel_loop3A_211 = tpu.vector_load %arg10[%parallel_loop3A_209, %parallel_loop3A_210] {strides = array<i32>} : memref<256x128xf32, #tpu.memory_space<vmem>>, vector<1x16xf32>,
      %parallel_loop3A_212 = vector.shape_cast %parallel_loop3A_211 : vector<1x16xf32> to vector<16xf32>
      %parallel_loop3A_213 = vector.shape_cast %get3A_76 : vector<16xf32> to vector<1x16xf32>
      tpu.vector_store %arg10[%parallel_loop3A_209, %parallel_loop3A_210], %parallel_loop3A_213 {strides = array<i32>} : memref<256x128xf32, #tpu.memory_space<vmem>>, vector<1x16xf32>,
      %parallel_loop3A_214 = arith.constant 64 : i32
      %parallel_loop3A_215 = arith.addi %parallel_loop3A_214, %parallel_loop3A_168 : i32
      %parallel_loop3A_216 = arith.constant 0 : i32
      %parallel_loop3A_217 = arith.addi %parallel_loop3A_215, %parallel_loop3A_216 : i32
      %parallel_loop3A_218 = arith.index_cast %parallel_loop3A_217 : i32 to index
      %parallel_loop3A_219 = arith.constant 80 : index
      %parallel_loop3A_220 = tpu.vector_load %arg10[%parallel_loop3A_218, %parallel_loop3A_219] {strides = array<i32>} : memref<256x128xf32, #tpu.memory_space<vmem>>, vector<1x16xf32>,
      %parallel_loop3A_221 = vector.shape_cast %parallel_loop3A_220 : vector<1x16xf32> to vector<16xf32>
      %parallel_loop3A_222 = vector.shape_cast %get3A_81 : vector<16xf32> to vector<1x16xf32>
      tpu.vector_store %arg10[%parallel_loop3A_218, %parallel_loop3A_219], %parallel_loop3A_222 {strides = array<i32>} : memref<256x128xf32, #tpu.memory_space<vmem>>, vector<1x16xf32>,
      %parallel_loop3A_223 = arith.constant 64 : i32
      %parallel_loop3A_224 = arith.addi %parallel_loop3A_223, %parallel_loop3A_168 : i32
      %parallel_loop3A_225 = arith.constant 0 : i32
      %parallel_loop3A_226 = arith.addi %parallel_loop3A_224, %parallel_loop3A_225 : i32
      %parallel_loop3A_227 = arith.index_cast %parallel_loop3A_226 : i32 to index
      %parallel_loop3A_228 = arith.constant 96 : index
      %parallel_loop3A_229 = tpu.vector_load %arg10[%parallel_loop3A_227, %parallel_loop3A_228] {strides = array<i32>} : memref<256x128xf32, #tpu.memory_space<vmem>>, vector<1x16xf32>,
      %parallel_loop3A_230 = vector.shape_cast %parallel_loop3A_229 : vector<1x16xf32> to vector<16xf32>
      %parallel_loop3A_231 = vector.shape_cast %get3A_86 : vector<16xf32> to vector<1x16xf32>
      tpu.vector_store %arg10[%parallel_loop3A_227, %parallel_loop3A_228], %parallel_loop3A_231 {strides = array<i32>} : memref<256x128xf32, #tpu.memory_space<vmem>>, vector<1x16xf32>,
      %parallel_loop3A_232 = arith.constant 64 : i32
      %parallel_loop3A_233 = arith.addi %parallel_loop3A_232, %parallel_loop3A_168 : i32
      %parallel_loop3A_234 = arith.constant 0 : i32
      %parallel_loop3A_235 = arith.addi %parallel_loop3A_233, %parallel_loop3A_234 : i32
      %parallel_loop3A_236 = arith.index_cast %parallel_loop3A_235 : i32 to index
      %parallel_loop3A_237 = arith.constant 112 : index
      %parallel_loop3A_238 = tpu.vector_load %arg10[%parallel_loop3A_236, %parallel_loop3A_237] {strides = array<i32>} : memref<256x128xf32, #tpu.memory_space<vmem>>, vector<1x16xf32>,
      %parallel_loop3A_239 = vector.shape_cast %parallel_loop3A_238 : vector<1x16xf32> to vector<16xf32>
      %parallel_loop3A_240 = vector.shape_cast %get3A_91 : vector<16xf32> to vector<1x16xf32>
      tpu.vector_store %arg10[%parallel_loop3A_236, %parallel_loop3A_237], %parallel_loop3A_240 {strides = array<i32>} : memref<256x128xf32, #tpu.memory_space<vmem>>, vector<1x16xf32>,
      %parallel_loop3A_241 = arith.constant 64 : i32
      %parallel_loop3A_242 = arith.addi %parallel_loop3A_241, %parallel_loop3A_168 : i32
      %parallel_loop3A_243 = arith.constant 1 : i32
      %parallel_loop3A_244 = arith.addi %parallel_loop3A_242, %parallel_loop3A_243 : i32
      %parallel_loop3A_245 = arith.index_cast %parallel_loop3A_244 : i32 to index
      %parallel_loop3A_246 = arith.constant 0 : index
      %parallel_loop3A_247 = tpu.vector_load %arg10[%parallel_loop3A_245, %parallel_loop3A_246] {strides = array<i32>} : memref<256x128xf32, #tpu.memory_space<vmem>>, vector<1x16xf32>,
      %parallel_loop3A_248 = vector.shape_cast %parallel_loop3A_247 : vector<1x16xf32> to vector<16xf32>
      %parallel_loop3A_249 = vector.shape_cast %get3A_56 : vector<16xf32> to vector<1x16xf32>
      tpu.vector_store %arg10[%parallel_loop3A_245, %parallel_loop3A_246], %parallel_loop3A_249 {strides = array<i32>} : memref<256x128xf32, #tpu.memory_space<vmem>>, vector<1x16xf32>,
      %parallel_loop3A_250 = arith.constant 64 : i32
      %parallel_loop3A_251 = arith.addi %parallel_loop3A_250, %parallel_loop3A_168 : i32
      %parallel_loop3A_252 = arith.constant 1 : i32
      %parallel_loop3A_253 = arith.addi %parallel_loop3A_251, %parallel_loop3A_252 : i32
      %parallel_loop3A_254 = arith.index_cast %parallel_loop3A_253 : i32 to index
      %parallel_loop3A_255 = arith.constant 16 : index
      %parallel_loop3A_256 = tpu.vector_load %arg10[%parallel_loop3A_254, %parallel_loop3A_255] {strides = array<i32>} : memref<256x128xf32, #tpu.memory_space<vmem>>, vector<1x16xf32>,
      %parallel_loop3A_257 = vector.shape_cast %parallel_loop3A_256 : vector<1x16xf32> to vector<16xf32>
      %parallel_loop3A_258 = vector.shape_cast %get3A_61 : vector<16xf32> to vector<1x16xf32>
      tpu.vector_store %arg10[%parallel_loop3A_254, %parallel_loop3A_255], %parallel_loop3A_258 {strides = array<i32>} : memref<256x128xf32, #tpu.memory_space<vmem>>, vector<1x16xf32>,
      %parallel_loop3A_259 = arith.constant 64 : i32
      %parallel_loop3A_260 = arith.addi %parallel_loop3A_259, %parallel_loop3A_168 : i32
      %parallel_loop3A_261 = arith.constant 1 : i32
      %parallel_loop3A_262 = arith.addi %parallel_loop3A_260, %parallel_loop3A_261 : i32
      %parallel_loop3A_263 = arith.index_cast %parallel_loop3A_262 : i32 to index
      %parallel_loop3A_264 = arith.constant 32 : index
      %parallel_loop3A_265 = tpu.vector_load %arg10[%parallel_loop3A_263, %parallel_loop3A_264] {strides = array<i32>} : memref<256x128xf32, #tpu.memory_space<vmem>>, vector<1x16xf32>,
      %parallel_loop3A_266 = vector.shape_cast %parallel_loop3A_265 : vector<1x16xf32> to vector<16xf32>
      %parallel_loop3A_267 = vector.shape_cast %get3A_66 : vector<16xf32> to vector<1x16xf32>
      tpu.vector_store %arg10[%parallel_loop3A_263, %parallel_loop3A_264], %parallel_loop3A_267 {strides = array<i32>} : memref<256x128xf32, #tpu.memory_space<vmem>>, vector<1x16xf32>,
      %parallel_loop3A_268 = arith.constant 64 : i32
      %parallel_loop3A_269 = arith.addi %parallel_loop3A_268, %parallel_loop3A_168 : i32
      %parallel_loop3A_270 = arith.constant 1 : i32
      %parallel_loop3A_271 = arith.addi %parallel_loop3A_269, %parallel_loop3A_270 : i32
      %parallel_loop3A_272 = arith.index_cast %parallel_loop3A_271 : i32 to index
      %parallel_loop3A_273 = arith.constant 48 : index
      %parallel_loop3A_274 = tpu.vector_load %arg10[%parallel_loop3A_272, %parallel_loop3A_273] {strides = array<i32>} : memref<256x128xf32, #tpu.memory_space<vmem>>, vector<1x16xf32>,
      %parallel_loop3A_275 = vector.shape_cast %parallel_loop3A_274 : vector<1x16xf32> to vector<16xf32>
      %parallel_loop3A_276 = vector.shape_cast %get3A_71 : vector<16xf32> to vector<1x16xf32>
      tpu.vector_store %arg10[%parallel_loop3A_272, %parallel_loop3A_273], %parallel_loop3A_276 {strides = array<i32>} : memref<256x128xf32, #tpu.memory_space<vmem>>, vector<1x16xf32>,
      %parallel_loop3A_277 = arith.constant 64 : i32
      %parallel_loop3A_278 = arith.addi %parallel_loop3A_277, %parallel_loop3A_168 : i32
      %parallel_loop3A_279 = arith.constant 1 : i32
      %parallel_loop3A_280 = arith.addi %parallel_loop3A_278, %parallel_loop3A_279 : i32
      %parallel_loop3A_281 = arith.index_cast %parallel_loop3A_280 : i32 to index
      %parallel_loop3A_282 = arith.constant 64 : index
      %parallel_loop3A_283 = tpu.vector_load %arg10[%parallel_loop3A_281, %parallel_loop3A_282] {strides = array<i32>} : memref<256x128xf32, #tpu.memory_space<vmem>>, vector<1x16xf32>,
      %parallel_loop3A_284 = vector.shape_cast %parallel_loop3A_283 : vector<1x16xf32> to vector<16xf32>
      %parallel_loop3A_285 = vector.shape_cast %get3A_76 : vector<16xf32> to vector<1x16xf32>
      tpu.vector_store %arg10[%parallel_loop3A_281, %parallel_loop3A_282], %parallel_loop3A_285 {strides = array<i32>} : memref<256x128xf32, #tpu.memory_space<vmem>>, vector<1x16xf32>,
      %parallel_loop3A_286 = arith.constant 64 : i32
      %parallel_loop3A_287 = arith.addi %parallel_loop3A_286, %parallel_loop3A_168 : i32
      %parallel_loop3A_288 = arith.constant 1 : i32
      %parallel_loop3A_289 = arith.addi %parallel_loop3A_287, %parallel_loop3A_288 : i32
      %parallel_loop3A_290 = arith.index_cast %parallel_loop3A_289 : i32 to index
      %parallel_loop3A_291 = arith.constant 80 : index
      %parallel_loop3A_292 = tpu.vector_load %arg10[%parallel_loop3A_290, %parallel_loop3A_291] {strides = array<i32>} : memref<256x128xf32, #tpu.memory_space<vmem>>, vector<1x16xf32>,
      %parallel_loop3A_293 = vector.shape_cast %parallel_loop3A_292 : vector<1x16xf32> to vector<16xf32>
      %parallel_loop3A_294 = vector.shape_cast %get3A_81 : vector<16xf32> to vector<1x16xf32>
      tpu.vector_store %arg10[%parallel_loop3A_290, %parallel_loop3A_291], %parallel_loop3A_294 {strides = array<i32>} : memref<256x128xf32, #tpu.memory_space<vmem>>, vector<1x16xf32>,
      %parallel_loop3A_295 = arith.constant 64 : i32
      %parallel_loop3A_296 = arith.addi %parallel_loop3A_295, %parallel_loop3A_168 : i32
      %parallel_loop3A_297 = arith.constant 1 : i32
      %parallel_loop3A_298 = arith.addi %parallel_loop3A_296, %parallel_loop3A_297 : i32
      %parallel_loop3A_299 = arith.index_cast %parallel_loop3A_298 : i32 to index
      %parallel_loop3A_300 = arith.constant 96 : index
      %parallel_loop3A_301 = tpu.vector_load %arg10[%parallel_loop3A_299, %parallel_loop3A_300] {strides = array<i32>} : memref<256x128xf32, #tpu.memory_space<vmem>>, vector<1x16xf32>,
      %parallel_loop3A_302 = vector.shape_cast %parallel_loop3A_301 : vector<1x16xf32> to vector<16xf32>
      %parallel_loop3A_303 = vector.shape_cast %get3A_86 : vector<16xf32> to vector<1x16xf32>
      tpu.vector_store %arg10[%parallel_loop3A_299, %parallel_loop3A_300], %parallel_loop3A_303 {strides = array<i32>} : memref<256x128xf32, #tpu.memory_space<vmem>>, vector<1x16xf32>,
      %parallel_loop3A_304 = arith.constant 64 : i32
      %parallel_loop3A_305 = arith.addi %parallel_loop3A_304, %parallel_loop3A_168 : i32
      %parallel_loop3A_306 = arith.constant 1 : i32
      %parallel_loop3A_307 = arith.addi %parallel_loop3A_305, %parallel_loop3A_306 : i32
      %parallel_loop3A_308 = arith.index_cast %parallel_loop3A_307 : i32 to index
      %parallel_loop3A_309 = arith.constant 112 : index
      %parallel_loop3A_310 = tpu.vector_load %arg10[%parallel_loop3A_308, %parallel_loop3A_309] {strides = array<i32>} : memref<256x128xf32, #tpu.memory_space<vmem>>, vector<1x16xf32>,
      %parallel_loop3A_311 = vector.shape_cast %parallel_loop3A_310 : vector<1x16xf32> to vector<16xf32>
      %parallel_loop3A_312 = vector.shape_cast %get3A_91 : vector<16xf32> to vector<1x16xf32>
      tpu.vector_store %arg10[%parallel_loop3A_308, %parallel_loop3A_309], %parallel_loop3A_312 {strides = array<i32>} : memref<256x128xf32, #tpu.memory_space<vmem>>, vector<1x16xf32>,
      %parallel_loop3A_313 = arith.constant 64 : i32
      %parallel_loop3A_314 = arith.addi %parallel_loop3A_313, %parallel_loop3A_168 : i32
      %parallel_loop3A_315 = arith.constant 2 : i32
      %parallel_loop3A_316 = arith.addi %parallel_loop3A_314, %parallel_loop3A_315 : i32
      %parallel_loop3A_317 = arith.index_cast %parallel_loop3A_316 : i32 to index
      %parallel_loop3A_318 = arith.constant 0 : index
      %parallel_loop3A_319 = tpu.vector_load %arg10[%parallel_loop3A_317, %parallel_loop3A_318] {strides = array<i32>} : memref<256x128xf32, #tpu.memory_space<vmem>>, vector<1x16xf32>,
      %parallel_loop3A_320 = vector.shape_cast %parallel_loop3A_319 : vector<1x16xf32> to vector<16xf32>
      %parallel_loop3A_321 = vector.shape_cast %get3A_56 : vector<16xf32> to vector<1x16xf32>
      tpu.vector_store %arg10[%parallel_loop3A_317, %parallel_loop3A_318], %parallel_loop3A_321 {strides = array<i32>} : memref<256x128xf32, #tpu.memory_space<vmem>>, vector<1x16xf32>,
      %parallel_loop3A_322 = arith.constant 64 : i32
      %parallel_loop3A_323 = arith.addi %parallel_loop3A_322, %parallel_loop3A_168 : i32
      %parallel_loop3A_324 = arith.constant 2 : i32
      %parallel_loop3A_325 = arith.addi %parallel_loop3A_323, %parallel_loop3A_324 : i32
      %parallel_loop3A_326 = arith.index_cast %parallel_loop3A_325 : i32 to index
      %parallel_loop3A_327 = arith.constant 16 : index
      %parallel_loop3A_328 = tpu.vector_load %arg10[%parallel_loop3A_326, %parallel_loop3A_327] {strides = array<i32>} : memref<256x128xf32, #tpu.memory_space<vmem>>, vector<1x16xf32>,
      %parallel_loop3A_329 = vector.shape_cast %parallel_loop3A_328 : vector<1x16xf32> to vector<16xf32>
      %parallel_loop3A_330 = vector.shape_cast %get3A_61 : vector<16xf32> to vector<1x16xf32>
      tpu.vector_store %arg10[%parallel_loop3A_326, %parallel_loop3A_327], %parallel_loop3A_330 {strides = array<i32>} : memref<256x128xf32, #tpu.memory_space<vmem>>, vector<1x16xf32>,
      %parallel_loop3A_331 = arith.constant 64 : i32
      %parallel_loop3A_332 = arith.addi %parallel_loop3A_331, %parallel_loop3A_168 : i32
      %parallel_loop3A_333 = arith.constant 2 : i32
      %parallel_loop3A_334 = arith.addi %parallel_loop3A_332, %parallel_loop3A_333 : i32
      %parallel_loop3A_335 = arith.index_cast %parallel_loop3A_334 : i32 to index
      %parallel_loop3A_336 = arith.constant 32 : index
      %parallel_loop3A_337 = tpu.vector_load %arg10[%parallel_loop3A_335, %parallel_loop3A_336] {strides = array<i32>} : memref<256x128xf32, #tpu.memory_space<vmem>>, vector<1x16xf32>,
      %parallel_loop3A_338 = vector.shape_cast %parallel_loop3A_337 : vector<1x16xf32> to vector<16xf32>
      %parallel_loop3A_339 = vector.shape_cast %get3A_66 : vector<16xf32> to vector<1x16xf32>
      tpu.vector_store %arg10[%parallel_loop3A_335, %parallel_loop3A_336], %parallel_loop3A_339 {strides = array<i32>} : memref<256x128xf32, #tpu.memory_space<vmem>>, vector<1x16xf32>,
      %parallel_loop3A_340 = arith.constant 64 : i32
      %parallel_loop3A_341 = arith.addi %parallel_loop3A_340, %parallel_loop3A_168 : i32
      %parallel_loop3A_342 = arith.constant 2 : i32
      %parallel_loop3A_343 = arith.addi %parallel_loop3A_341, %parallel_loop3A_342 : i32
      %parallel_loop3A_344 = arith.index_cast %parallel_loop3A_343 : i32 to index
      %parallel_loop3A_345 = arith.constant 48 : index
      %parallel_loop3A_346 = tpu.vector_load %arg10[%parallel_loop3A_344, %parallel_loop3A_345] {strides = array<i32>} : memref<256x128xf32, #tpu.memory_space<vmem>>, vector<1x16xf32>,
      %parallel_loop3A_347 = vector.shape_cast %parallel_loop3A_346 : vector<1x16xf32> to vector<16xf32>
      %parallel_loop3A_348 = vector.shape_cast %get3A_71 : vector<16xf32> to vector<1x16xf32>
      tpu.vector_store %arg10[%parallel_loop3A_344, %parallel_loop3A_345], %parallel_loop3A_348 {strides = array<i32>} : memref<256x128xf32, #tpu.memory_space<vmem>>, vector<1x16xf32>,
      %parallel_loop3A_349 = arith.constant 64 : i32
      %parallel_loop3A_350 = arith.addi %parallel_loop3A_349, %parallel_loop3A_168 : i32
      %parallel_loop3A_351 = arith.constant 2 : i32
      %parallel_loop3A_352 = arith.addi %parallel_loop3A_350, %parallel_loop3A_351 : i32
      %parallel_loop3A_353 = arith.index_cast %parallel_loop3A_352 : i32 to index
      %parallel_loop3A_354 = arith.constant 64 : index
      %parallel_loop3A_355 = tpu.vector_load %arg10[%parallel_loop3A_353, %parallel_loop3A_354] {strides = array<i32>} : memref<256x128xf32, #tpu.memory_space<vmem>>, vector<1x16xf32>,
      %parallel_loop3A_356 = vector.shape_cast %parallel_loop3A_355 : vector<1x16xf32> to vector<16xf32>
      %parallel_loop3A_357 = vector.shape_cast %get3A_76 : vector<16xf32> to vector<1x16xf32>
      tpu.vector_store %arg10[%parallel_loop3A_353, %parallel_loop3A_354], %parallel_loop3A_357 {strides = array<i32>} : memref<256x128xf32, #tpu.memory_space<vmem>>, vector<1x16xf32>,
      %parallel_loop3A_358 = arith.constant 64 : i32
      %parallel_loop3A_359 = arith.addi %parallel_loop3A_358, %parallel_loop3A_168 : i32
      %parallel_loop3A_360 = arith.constant 2 : i32
      %parallel_loop3A_361 = arith.addi %parallel_loop3A_359, %parallel_loop3A_360 : i32
      %parallel_loop3A_362 = arith.index_cast %parallel_loop3A_361 : i32 to index
      %parallel_loop3A_363 = arith.constant 80 : index
      %parallel_loop3A_364 = tpu.vector_load %arg10[%parallel_loop3A_362, %parallel_loop3A_363] {strides = array<i32>} : memref<256x128xf32, #tpu.memory_space<vmem>>, vector<1x16xf32>,
      %parallel_loop3A_365 = vector.shape_cast %parallel_loop3A_364 : vector<1x16xf32> to vector<16xf32>
      %parallel_loop3A_366 = vector.shape_cast %get3A_81 : vector<16xf32> to vector<1x16xf32>
      tpu.vector_store %arg10[%parallel_loop3A_362, %parallel_loop3A_363], %parallel_loop3A_366 {strides = array<i32>} : memref<256x128xf32, #tpu.memory_space<vmem>>, vector<1x16xf32>,
      %parallel_loop3A_367 = arith.constant 64 : i32
      %parallel_loop3A_368 = arith.addi %parallel_loop3A_367, %parallel_loop3A_168 : i32
      %parallel_loop3A_369 = arith.constant 2 : i32
      %parallel_loop3A_370 = arith.addi %parallel_loop3A_368, %parallel_loop3A_369 : i32
      %parallel_loop3A_371 = arith.index_cast %parallel_loop3A_370 : i32 to index
      %parallel_loop3A_372 = arith.constant 96 : index
      %parallel_loop3A_373 = tpu.vector_load %arg10[%parallel_loop3A_371, %parallel_loop3A_372] {strides = array<i32>} : memref<256x128xf32, #tpu.memory_space<vmem>>, vector<1x16xf32>,
      %parallel_loop3A_374 = vector.shape_cast %parallel_loop3A_373 : vector<1x16xf32> to vector<16xf32>
      %parallel_loop3A_375 = vector.shape_cast %get3A_86 : vector<16xf32> to vector<1x16xf32>
      tpu.vector_store %arg10[%parallel_loop3A_371, %parallel_loop3A_372], %parallel_loop3A_375 {strides = array<i32>} : memref<256x128xf32, #tpu.memory_space<vmem>>, vector<1x16xf32>,
      %parallel_loop3A_376 = arith.constant 64 : i32
      %parallel_loop3A_377 = arith.addi %parallel_loop3A_376, %parallel_loop3A_168 : i32
      %parallel_loop3A_378 = arith.constant 2 : i32
      %parallel_loop3A_379 = arith.addi %parallel_loop3A_377, %parallel_loop3A_378 : i32
      %parallel_loop3A_380 = arith.index_cast %parallel_loop3A_379 : i32 to index
      %parallel_loop3A_381 = arith.constant 112 : index
      %parallel_loop3A_382 = tpu.vector_load %arg10[%parallel_loop3A_380, %parallel_loop3A_381] {strides = array<i32>} : memref<256x128xf32, #tpu.memory_space<vmem>>, vector<1x16xf32>,
      %parallel_loop3A_383 = vector.shape_cast %parallel_loop3A_382 : vector<1x16xf32> to vector<16xf32>
      %parallel_loop3A_384 = vector.shape_cast %get3A_91 : vector<16xf32> to vector<1x16xf32>
      tpu.vector_store %arg10[%parallel_loop3A_380, %parallel_loop3A_381], %parallel_loop3A_384 {strides = array<i32>} : memref<256x128xf32, #tpu.memory_space<vmem>>, vector<1x16xf32>,
      %parallel_loop3A_385 = arith.constant 64 : i32
      %parallel_loop3A_386 = arith.addi %parallel_loop3A_385, %parallel_loop3A_168 : i32
      %parallel_loop3A_387 = arith.constant 3 : i32
      %parallel_loop3A_388 = arith.addi %parallel_loop3A_386, %parallel_loop3A_387 : i32
      %parallel_loop3A_389 = arith.index_cast %parallel_loop3A_388 : i32 to index
      %parallel_loop3A_390 = arith.constant 0 : index
      %parallel_loop3A_391 = tpu.vector_load %arg10[%parallel_loop3A_389, %parallel_loop3A_390] {strides = array<i32>} : memref<256x128xf32, #tpu.memory_space<vmem>>, vector<1x16xf32>,
      %parallel_loop3A_392 = vector.shape_cast %parallel_loop3A_391 : vector<1x16xf32> to vector<16xf32>
      %parallel_loop3A_393 = vector.shape_cast %get3A_56 : vector<16xf32> to vector<1x16xf32>
      tpu.vector_store %arg10[%parallel_loop3A_389, %parallel_loop3A_390], %parallel_loop3A_393 {strides = array<i32>} : memref<256x128xf32, #tpu.memory_space<vmem>>, vector<1x16xf32>,
      %parallel_loop3A_394 = arith.constant 64 : i32
      %parallel_loop3A_395 = arith.addi %parallel_loop3A_394, %parallel_loop3A_168 : i32
      %parallel_loop3A_396 = arith.constant 3 : i32
      %parallel_loop3A_397 = arith.addi %parallel_loop3A_395, %parallel_loop3A_396 : i32
      %parallel_loop3A_398 = arith.index_cast %parallel_loop3A_397 : i32 to index
      %parallel_loop3A_399 = arith.constant 16 : index
      %parallel_loop3A_400 = tpu.vector_load %arg10[%parallel_loop3A_398, %parallel_loop3A_399] {strides = array<i32>} : memref<256x128xf32, #tpu.memory_space<vmem>>, vector<1x16xf32>,
      %parallel_loop3A_401 = vector.shape_cast %parallel_loop3A_400 : vector<1x16xf32> to vector<16xf32>
      %parallel_loop3A_402 = vector.shape_cast %get3A_61 : vector<16xf32> to vector<1x16xf32>
      tpu.vector_store %arg10[%parallel_loop3A_398, %parallel_loop3A_399], %parallel_loop3A_402 {strides = array<i32>} : memref<256x128xf32, #tpu.memory_space<vmem>>, vector<1x16xf32>,
      %parallel_loop3A_403 = arith.constant 64 : i32
      %parallel_loop3A_404 = arith.addi %parallel_loop3A_403, %parallel_loop3A_168 : i32
      %parallel_loop3A_405 = arith.constant 3 : i32
      %parallel_loop3A_406 = arith.addi %parallel_loop3A_404, %parallel_loop3A_405 : i32
      %parallel_loop3A_407 = arith.index_cast %parallel_loop3A_406 : i32 to index
      %parallel_loop3A_408 = arith.constant 32 : index
      %parallel_loop3A_409 = tpu.vector_load %arg10[%parallel_loop3A_407, %parallel_loop3A_408] {strides = array<i32>} : memref<256x128xf32, #tpu.memory_space<vmem>>, vector<1x16xf32>,
      %parallel_loop3A_410 = vector.shape_cast %parallel_loop3A_409 : vector<1x16xf32> to vector<16xf32>
      %parallel_loop3A_411 = vector.shape_cast %get3A_66 : vector<16xf32> to vector<1x16xf32>
      tpu.vector_store %arg10[%parallel_loop3A_407, %parallel_loop3A_408], %parallel_loop3A_411 {strides = array<i32>} : memref<256x128xf32, #tpu.memory_space<vmem>>, vector<1x16xf32>,
      %parallel_loop3A_412 = arith.constant 64 : i32
      %parallel_loop3A_413 = arith.addi %parallel_loop3A_412, %parallel_loop3A_168 : i32
      %parallel_loop3A_414 = arith.constant 3 : i32
      %parallel_loop3A_415 = arith.addi %parallel_loop3A_413, %parallel_loop3A_414 : i32
      %parallel_loop3A_416 = arith.index_cast %parallel_loop3A_415 : i32 to index
      %parallel_loop3A_417 = arith.constant 48 : index
      %parallel_loop3A_418 = tpu.vector_load %arg10[%parallel_loop3A_416, %parallel_loop3A_417] {strides = array<i32>} : memref<256x128xf32, #tpu.memory_space<vmem>>, vector<1x16xf32>,
      %parallel_loop3A_419 = vector.shape_cast %parallel_loop3A_418 : vector<1x16xf32> to vector<16xf32>
      %parallel_loop3A_420 = vector.shape_cast %get3A_71 : vector<16xf32> to vector<1x16xf32>
      tpu.vector_store %arg10[%parallel_loop3A_416, %parallel_loop3A_417], %parallel_loop3A_420 {strides = array<i32>} : memref<256x128xf32, #tpu.memory_space<vmem>>, vector<1x16xf32>,
      %parallel_loop3A_421 = arith.constant 64 : i32
      %parallel_loop3A_422 = arith.addi %parallel_loop3A_421, %parallel_loop3A_168 : i32
      %parallel_loop3A_423 = arith.constant 3 : i32
      %parallel_loop3A_424 = arith.addi %parallel_loop3A_422, %parallel_loop3A_423 : i32
      %parallel_loop3A_425 = arith.index_cast %parallel_loop3A_424 : i32 to index
      %parallel_loop3A_426 = arith.constant 64 : index
      %parallel_loop3A_427 = tpu.vector_load %arg10[%parallel_loop3A_425, %parallel_loop3A_426] {strides = array<i32>} : memref<256x128xf32, #tpu.memory_space<vmem>>, vector<1x16xf32>,
      %parallel_loop3A_428 = vector.shape_cast %parallel_loop3A_427 : vector<1x16xf32> to vector<16xf32>
      %parallel_loop3A_429 = vector.shape_cast %get3A_76 : vector<16xf32> to vector<1x16xf32>
      tpu.vector_store %arg10[%parallel_loop3A_425, %parallel_loop3A_426], %parallel_loop3A_429 {strides = array<i32>} : memref<256x128xf32, #tpu.memory_space<vmem>>, vector<1x16xf32>,
      %parallel_loop3A_430 = arith.constant 64 : i32
      %parallel_loop3A_431 = arith.addi %parallel_loop3A_430, %parallel_loop3A_168 : i32
      %parallel_loop3A_432 = arith.constant 3 : i32
      %parallel_loop3A_433 = arith.addi %parallel_loop3A_431, %parallel_loop3A_432 : i32
      %parallel_loop3A_434 = arith.index_cast %parallel_loop3A_433 : i32 to index
      %parallel_loop3A_435 = arith.constant 80 : index
      %parallel_loop3A_436 = tpu.vector_load %arg10[%parallel_loop3A_434, %parallel_loop3A_435] {strides = array<i32>} : memref<256x128xf32, #tpu.memory_space<vmem>>, vector<1x16xf32>,
      %parallel_loop3A_437 = vector.shape_cast %parallel_loop3A_436 : vector<1x16xf32> to vector<16xf32>
      %parallel_loop3A_438 = vector.shape_cast %get3A_81 : vector<16xf32> to vector<1x16xf32>
      tpu.vector_store %arg10[%parallel_loop3A_434, %parallel_loop3A_435], %parallel_loop3A_438 {strides = array<i32>} : memref<256x128xf32, #tpu.memory_space<vmem>>, vector<1x16xf32>,
      %parallel_loop3A_439 = arith.constant 64 : i32
      %parallel_loop3A_440 = arith.addi %parallel_loop3A_439, %parallel_loop3A_168 : i32
      %parallel_loop3A_441 = arith.constant 3 : i32
      %parallel_loop3A_442 = arith.addi %parallel_loop3A_440, %parallel_loop3A_441 : i32
      %parallel_loop3A_443 = arith.index_cast %parallel_loop3A_442 : i32 to index
      %parallel_loop3A_444 = arith.constant 96 : index
      %parallel_loop3A_445 = tpu.vector_load %arg10[%parallel_loop3A_443, %parallel_loop3A_444] {strides = array<i32>} : memref<256x128xf32, #tpu.memory_space<vmem>>, vector<1x16xf32>,
      %parallel_loop3A_446 = vector.shape_cast %parallel_loop3A_445 : vector<1x16xf32> to vector<16xf32>
      %parallel_loop3A_447 = vector.shape_cast %get3A_86 : vector<16xf32> to vector<1x16xf32>
      tpu.vector_store %arg10[%parallel_loop3A_443, %parallel_loop3A_444], %parallel_loop3A_447 {strides = array<i32>} : memref<256x128xf32, #tpu.memory_space<vmem>>, vector<1x16xf32>,
      %parallel_loop3A_448 = arith.constant 64 : i32
      %parallel_loop3A_449 = arith.addi %parallel_loop3A_448, %parallel_loop3A_168 : i32
      %parallel_loop3A_450 = arith.constant 3 : i32
      %parallel_loop3A_451 = arith.addi %parallel_loop3A_449, %parallel_loop3A_450 : i32
      %parallel_loop3A_452 = arith.index_cast %parallel_loop3A_451 : i32 to index
      %parallel_loop3A_453 = arith.constant 112 : index
      %parallel_loop3A_454 = tpu.vector_load %arg10[%parallel_loop3A_452, %parallel_loop3A_453] {strides = array<i32>} : memref<256x128xf32, #tpu.memory_space<vmem>>, vector<1x16xf32>,
      %parallel_loop3A_455 = vector.shape_cast %parallel_loop3A_454 : vector<1x16xf32> to vector<16xf32>
      %parallel_loop3A_456 = vector.shape_cast %get3A_91 : vector<16xf32> to vector<1x16xf32>
      tpu.vector_store %arg10[%parallel_loop3A_452, %parallel_loop3A_453], %parallel_loop3A_456 {strides = array<i32>} : memref<256x128xf32, #tpu.memory_space<vmem>>, vector<1x16xf32>,
    } {sc.loop_unroll_factor = 1 : i64, sc.parallel_access}
    %get3A_95 = arith.constant 2 : i32
    %get3A_96 = arith.index_cast %get3A_95 : i32 to index
    %get3A_97 = arith.constant 0 : index
    %get3A_98 = tpu.vector_load %arg9[%get3A_96, %get3A_97] {strides = array<i32>} : memref<3x128xf32, #tpu.memory_space<vmem>>, vector<1x16xf32>,
    %get3A_99 = vector.shape_cast %get3A_98 : vector<1x16xf32> to vector<16xf32>
    %get3A_100 = arith.constant 2 : i32
    %get3A_101 = arith.index_cast %get3A_100 : i32 to index
    %get3A_102 = arith.constant 16 : index
    %get3A_103 = tpu.vector_load %arg9[%get3A_101, %get3A_102] {strides = array<i32>} : memref<3x128xf32, #tpu.memory_space<vmem>>, vector<1x16xf32>,
    %get3A_104 = vector.shape_cast %get3A_103 : vector<1x16xf32> to vector<16xf32>
    %get3A_105 = arith.constant 2 : i32
    %get3A_106 = arith.index_cast %get3A_105 : i32 to index
    %get3A_107 = arith.constant 32 : index
    %get3A_108 = tpu.vector_load %arg9[%get3A_106, %get3A_107] {strides = array<i32>} : memref<3x128xf32, #tpu.memory_space<vmem>>, vector<1x16xf32>,
    %get3A_109 = vector.shape_cast %get3A_108 : vector<1x16xf32> to vector<16xf32>
    %get3A_110 = arith.constant 2 : i32
    %get3A_111 = arith.index_cast %get3A_110 : i32 to index
    %get3A_112 = arith.constant 48 : index
    %get3A_113 = tpu.vector_load %arg9[%get3A_111, %get3A_112] {strides = array<i32>} : memref<3x128xf32, #tpu.memory_space<vmem>>, vector<1x16xf32>,
    %get3A_114 = vector.shape_cast %get3A_113 : vector<1x16xf32> to vector<16xf32>
    %get3A_115 = arith.constant 2 : i32
    %get3A_116 = arith.index_cast %get3A_115 : i32 to index
    %get3A_117 = arith.constant 64 : index
    %get3A_118 = tpu.vector_load %arg9[%get3A_116, %get3A_117] {strides = array<i32>} : memref<3x128xf32, #tpu.memory_space<vmem>>, vector<1x16xf32>,
    %get3A_119 = vector.shape_cast %get3A_118 : vector<1x16xf32> to vector<16xf32>
    %get3A_120 = arith.constant 2 : i32
    %get3A_121 = arith.index_cast %get3A_120 : i32 to index
    %get3A_122 = arith.constant 80 : index
    %get3A_123 = tpu.vector_load %arg9[%get3A_121, %get3A_122] {strides = array<i32>} : memref<3x128xf32, #tpu.memory_space<vmem>>, vector<1x16xf32>,
    %get3A_124 = vector.shape_cast %get3A_123 : vector<1x16xf32> to vector<16xf32>
    %get3A_125 = arith.constant 2 : i32
    %get3A_126 = arith.index_cast %get3A_125 : i32 to index
    %get3A_127 = arith.constant 96 : index
    %get3A_128 = tpu.vector_load %arg9[%get3A_126, %get3A_127] {strides = array<i32>} : memref<3x128xf32, #tpu.memory_space<vmem>>, vector<1x16xf32>,
    %get3A_129 = vector.shape_cast %get3A_128 : vector<1x16xf32> to vector<16xf32>
    %get3A_130 = arith.constant 2 : i32
    %get3A_131 = arith.index_cast %get3A_130 : i32 to index
    %get3A_132 = arith.constant 112 : index
    %get3A_133 = tpu.vector_load %arg9[%get3A_131, %get3A_132] {strides = array<i32>} : memref<3x128xf32, #tpu.memory_space<vmem>>, vector<1x16xf32>,
    %get3A_134 = vector.shape_cast %get3A_133 : vector<1x16xf32> to vector<16xf32>
    %parallel_loop3A_135 = arith.constant 0 : i32
    %parallel_loop3A_136 = arith.constant 64 : i32
    %parallel_loop3A_137 = arith.constant 4 : i32
    scf.for %parallel_loop3A_168 = %parallel_loop3A_135 to %parallel_loop3A_136 step %parallel_loop3A_137  : i32 {
      %parallel_loop3A_169 = arith.constant 128 : i32
      %parallel_loop3A_170 = arith.addi %parallel_loop3A_169, %parallel_loop3A_168 : i32
      %parallel_loop3A_171 = arith.constant 0 : i32
      %parallel_loop3A_172 = arith.addi %parallel_loop3A_170, %parallel_loop3A_171 : i32
      %parallel_loop3A_173 = arith.index_cast %parallel_loop3A_172 : i32 to index
      %parallel_loop3A_174 = arith.constant 0 : index
      %parallel_loop3A_175 = tpu.vector_load %arg10[%parallel_loop3A_173, %parallel_loop3A_174] {strides = array<i32>} : memref<256x128xf32, #tpu.memory_space<vmem>>, vector<1x16xf32>,
      %parallel_loop3A_176 = vector.shape_cast %parallel_loop3A_175 : vector<1x16xf32> to vector<16xf32>
      %parallel_loop3A_177 = vector.shape_cast %get3A_99 : vector<16xf32> to vector<1x16xf32>
      tpu.vector_store %arg10[%parallel_loop3A_173, %parallel_loop3A_174], %parallel_loop3A_177 {strides = array<i32>} : memref<256x128xf32, #tpu.memory_space<vmem>>, vector<1x16xf32>,
      %parallel_loop3A_178 = arith.constant 128 : i32
      %parallel_loop3A_179 = arith.addi %parallel_loop3A_178, %parallel_loop3A_168 : i32
      %parallel_loop3A_180 = arith.constant 0 : i32
      %parallel_loop3A_181 = arith.addi %parallel_loop3A_179, %parallel_loop3A_180 : i32
      %parallel_loop3A_182 = arith.index_cast %parallel_loop3A_181 : i32 to index
      %parallel_loop3A_183 = arith.constant 16 : index
      %parallel_loop3A_184 = tpu.vector_load %arg10[%parallel_loop3A_182, %parallel_loop3A_183] {strides = array<i32>} : memref<256x128xf32, #tpu.memory_space<vmem>>, vector<1x16xf32>,
      %parallel_loop3A_185 = vector.shape_cast %parallel_loop3A_184 : vector<1x16xf32> to vector<16xf32>
      %parallel_loop3A_186 = vector.shape_cast %get3A_104 : vector<16xf32> to vector<1x16xf32>
      tpu.vector_store %arg10[%parallel_loop3A_182, %parallel_loop3A_183], %parallel_loop3A_186 {strides = array<i32>} : memref<256x128xf32, #tpu.memory_space<vmem>>, vector<1x16xf32>,
      %parallel_loop3A_187 = arith.constant 128 : i32
      %parallel_loop3A_188 = arith.addi %parallel_loop3A_187, %parallel_loop3A_168 : i32
      %parallel_loop3A_189 = arith.constant 0 : i32
      %parallel_loop3A_190 = arith.addi %parallel_loop3A_188, %parallel_loop3A_189 : i32
      %parallel_loop3A_191 = arith.index_cast %parallel_loop3A_190 : i32 to index
      %parallel_loop3A_192 = arith.constant 32 : index
      %parallel_loop3A_193 = tpu.vector_load %arg10[%parallel_loop3A_191, %parallel_loop3A_192] {strides = array<i32>} : memref<256x128xf32, #tpu.memory_space<vmem>>, vector<1x16xf32>,
      %parallel_loop3A_194 = vector.shape_cast %parallel_loop3A_193 : vector<1x16xf32> to vector<16xf32>
      %parallel_loop3A_195 = vector.shape_cast %get3A_109 : vector<16xf32> to vector<1x16xf32>
      tpu.vector_store %arg10[%parallel_loop3A_191, %parallel_loop3A_192], %parallel_loop3A_195 {strides = array<i32>} : memref<256x128xf32, #tpu.memory_space<vmem>>, vector<1x16xf32>,
      %parallel_loop3A_196 = arith.constant 128 : i32
      %parallel_loop3A_197 = arith.addi %parallel_loop3A_196, %parallel_loop3A_168 : i32
      %parallel_loop3A_198 = arith.constant 0 : i32
      %parallel_loop3A_199 = arith.addi %parallel_loop3A_197, %parallel_loop3A_198 : i32
      %parallel_loop3A_200 = arith.index_cast %parallel_loop3A_199 : i32 to index
      %parallel_loop3A_201 = arith.constant 48 : index
      %parallel_loop3A_202 = tpu.vector_load %arg10[%parallel_loop3A_200, %parallel_loop3A_201] {strides = array<i32>} : memref<256x128xf32, #tpu.memory_space<vmem>>, vector<1x16xf32>,
      %parallel_loop3A_203 = vector.shape_cast %parallel_loop3A_202 : vector<1x16xf32> to vector<16xf32>
      %parallel_loop3A_204 = vector.shape_cast %get3A_114 : vector<16xf32> to vector<1x16xf32>
      tpu.vector_store %arg10[%parallel_loop3A_200, %parallel_loop3A_201], %parallel_loop3A_204 {strides = array<i32>} : memref<256x128xf32, #tpu.memory_space<vmem>>, vector<1x16xf32>,
      %parallel_loop3A_205 = arith.constant 128 : i32
      %parallel_loop3A_206 = arith.addi %parallel_loop3A_205, %parallel_loop3A_168 : i32
      %parallel_loop3A_207 = arith.constant 0 : i32
      %parallel_loop3A_208 = arith.addi %parallel_loop3A_206, %parallel_loop3A_207 : i32
      %parallel_loop3A_209 = arith.index_cast %parallel_loop3A_208 : i32 to index
      %parallel_loop3A_210 = arith.constant 64 : index
      %parallel_loop3A_211 = tpu.vector_load %arg10[%parallel_loop3A_209, %parallel_loop3A_210] {strides = array<i32>} : memref<256x128xf32, #tpu.memory_space<vmem>>, vector<1x16xf32>,
      %parallel_loop3A_212 = vector.shape_cast %parallel_loop3A_211 : vector<1x16xf32> to vector<16xf32>
      %parallel_loop3A_213 = vector.shape_cast %get3A_119 : vector<16xf32> to vector<1x16xf32>
      tpu.vector_store %arg10[%parallel_loop3A_209, %parallel_loop3A_210], %parallel_loop3A_213 {strides = array<i32>} : memref<256x128xf32, #tpu.memory_space<vmem>>, vector<1x16xf32>,
      %parallel_loop3A_214 = arith.constant 128 : i32
      %parallel_loop3A_215 = arith.addi %parallel_loop3A_214, %parallel_loop3A_168 : i32
      %parallel_loop3A_216 = arith.constant 0 : i32
      %parallel_loop3A_217 = arith.addi %parallel_loop3A_215, %parallel_loop3A_216 : i32
      %parallel_loop3A_218 = arith.index_cast %parallel_loop3A_217 : i32 to index
      %parallel_loop3A_219 = arith.constant 80 : index
      %parallel_loop3A_220 = tpu.vector_load %arg10[%parallel_loop3A_218, %parallel_loop3A_219] {strides = array<i32>} : memref<256x128xf32, #tpu.memory_space<vmem>>, vector<1x16xf32>,
      %parallel_loop3A_221 = vector.shape_cast %parallel_loop3A_220 : vector<1x16xf32> to vector<16xf32>
      %parallel_loop3A_222 = vector.shape_cast %get3A_124 : vector<16xf32> to vector<1x16xf32>
      tpu.vector_store %arg10[%parallel_loop3A_218, %parallel_loop3A_219], %parallel_loop3A_222 {strides = array<i32>} : memref<256x128xf32, #tpu.memory_space<vmem>>, vector<1x16xf32>,
      %parallel_loop3A_223 = arith.constant 128 : i32
      %parallel_loop3A_224 = arith.addi %parallel_loop3A_223, %parallel_loop3A_168 : i32
      %parallel_loop3A_225 = arith.constant 0 : i32
      %parallel_loop3A_226 = arith.addi %parallel_loop3A_224, %parallel_loop3A_225 : i32
      %parallel_loop3A_227 = arith.index_cast %parallel_loop3A_226 : i32 to index
      %parallel_loop3A_228 = arith.constant 96 : index
      %parallel_loop3A_229 = tpu.vector_load %arg10[%parallel_loop3A_227, %parallel_loop3A_228] {strides = array<i32>} : memref<256x128xf32, #tpu.memory_space<vmem>>, vector<1x16xf32>,
      %parallel_loop3A_230 = vector.shape_cast %parallel_loop3A_229 : vector<1x16xf32> to vector<16xf32>
      %parallel_loop3A_231 = vector.shape_cast %get3A_129 : vector<16xf32> to vector<1x16xf32>
      tpu.vector_store %arg10[%parallel_loop3A_227, %parallel_loop3A_228], %parallel_loop3A_231 {strides = array<i32>} : memref<256x128xf32, #tpu.memory_space<vmem>>, vector<1x16xf32>,
      %parallel_loop3A_232 = arith.constant 128 : i32
      %parallel_loop3A_233 = arith.addi %parallel_loop3A_232, %parallel_loop3A_168 : i32
      %parallel_loop3A_234 = arith.constant 0 : i32
      %parallel_loop3A_235 = arith.addi %parallel_loop3A_233, %parallel_loop3A_234 : i32
      %parallel_loop3A_236 = arith.index_cast %parallel_loop3A_235 : i32 to index
      %parallel_loop3A_237 = arith.constant 112 : index
      %parallel_loop3A_238 = tpu.vector_load %arg10[%parallel_loop3A_236, %parallel_loop3A_237] {strides = array<i32>} : memref<256x128xf32, #tpu.memory_space<vmem>>, vector<1x16xf32>,
      %parallel_loop3A_239 = vector.shape_cast %parallel_loop3A_238 : vector<1x16xf32> to vector<16xf32>
      %parallel_loop3A_240 = vector.shape_cast %get3A_134 : vector<16xf32> to vector<1x16xf32>
      tpu.vector_store %arg10[%parallel_loop3A_236, %parallel_loop3A_237], %parallel_loop3A_240 {strides = array<i32>} : memref<256x128xf32, #tpu.memory_space<vmem>>, vector<1x16xf32>,
      %parallel_loop3A_241 = arith.constant 128 : i32
      %parallel_loop3A_242 = arith.addi %parallel_loop3A_241, %parallel_loop3A_168 : i32
      %parallel_loop3A_243 = arith.constant 1 : i32
      %parallel_loop3A_244 = arith.addi %parallel_loop3A_242, %parallel_loop3A_243 : i32
      %parallel_loop3A_245 = arith.index_cast %parallel_loop3A_244 : i32 to index
      %parallel_loop3A_246 = arith.constant 0 : index
      %parallel_loop3A_247 = tpu.vector_load %arg10[%parallel_loop3A_245, %parallel_loop3A_246] {strides = array<i32>} : memref<256x128xf32, #tpu.memory_space<vmem>>, vector<1x16xf32>,
      %parallel_loop3A_248 = vector.shape_cast %parallel_loop3A_247 : vector<1x16xf32> to vector<16xf32>
      %parallel_loop3A_249 = vector.shape_cast %get3A_99 : vector<16xf32> to vector<1x16xf32>
      tpu.vector_store %arg10[%parallel_loop3A_245, %parallel_loop3A_246], %parallel_loop3A_249 {strides = array<i32>} : memref<256x128xf32, #tpu.memory_space<vmem>>, vector<1x16xf32>,
      %parallel_loop3A_250 = arith.constant 128 : i32
      %parallel_loop3A_251 = arith.addi %parallel_loop3A_250, %parallel_loop3A_168 : i32
      %parallel_loop3A_252 = arith.constant 1 : i32
      %parallel_loop3A_253 = arith.addi %parallel_loop3A_251, %parallel_loop3A_252 : i32
      %parallel_loop3A_254 = arith.index_cast %parallel_loop3A_253 : i32 to index
      %parallel_loop3A_255 = arith.constant 16 : index
      %parallel_loop3A_256 = tpu.vector_load %arg10[%parallel_loop3A_254, %parallel_loop3A_255] {strides = array<i32>} : memref<256x128xf32, #tpu.memory_space<vmem>>, vector<1x16xf32>,
      %parallel_loop3A_257 = vector.shape_cast %parallel_loop3A_256 : vector<1x16xf32> to vector<16xf32>
      %parallel_loop3A_258 = vector.shape_cast %get3A_104 : vector<16xf32> to vector<1x16xf32>
      tpu.vector_store %arg10[%parallel_loop3A_254, %parallel_loop3A_255], %parallel_loop3A_258 {strides = array<i32>} : memref<256x128xf32, #tpu.memory_space<vmem>>, vector<1x16xf32>,
      %parallel_loop3A_259 = arith.constant 128 : i32
      %parallel_loop3A_260 = arith.addi %parallel_loop3A_259, %parallel_loop3A_168 : i32
      %parallel_loop3A_261 = arith.constant 1 : i32
      %parallel_loop3A_262 = arith.addi %parallel_loop3A_260, %parallel_loop3A_261 : i32
      %parallel_loop3A_263 = arith.index_cast %parallel_loop3A_262 : i32 to index
      %parallel_loop3A_264 = arith.constant 32 : index
      %parallel_loop3A_265 = tpu.vector_load %arg10[%parallel_loop3A_263, %parallel_loop3A_264] {strides = array<i32>} : memref<256x128xf32, #tpu.memory_space<vmem>>, vector<1x16xf32>,
      %parallel_loop3A_266 = vector.shape_cast %parallel_loop3A_265 : vector<1x16xf32> to vector<16xf32>
      %parallel_loop3A_267 = vector.shape_cast %get3A_109 : vector<16xf32> to vector<1x16xf32>
      tpu.vector_store %arg10[%parallel_loop3A_263, %parallel_loop3A_264], %parallel_loop3A_267 {strides = array<i32>} : memref<256x128xf32, #tpu.memory_space<vmem>>, vector<1x16xf32>,
      %parallel_loop3A_268 = arith.constant 128 : i32
      %parallel_loop3A_269 = arith.addi %parallel_loop3A_268, %parallel_loop3A_168 : i32
      %parallel_loop3A_270 = arith.constant 1 : i32
      %parallel_loop3A_271 = arith.addi %parallel_loop3A_269, %parallel_loop3A_270 : i32
      %parallel_loop3A_272 = arith.index_cast %parallel_loop3A_271 : i32 to index
      %parallel_loop3A_273 = arith.constant 48 : index
      %parallel_loop3A_274 = tpu.vector_load %arg10[%parallel_loop3A_272, %parallel_loop3A_273] {strides = array<i32>} : memref<256x128xf32, #tpu.memory_space<vmem>>, vector<1x16xf32>,
      %parallel_loop3A_275 = vector.shape_cast %parallel_loop3A_274 : vector<1x16xf32> to vector<16xf32>
      %parallel_loop3A_276 = vector.shape_cast %get3A_114 : vector<16xf32> to vector<1x16xf32>
      tpu.vector_store %arg10[%parallel_loop3A_272, %parallel_loop3A_273], %parallel_loop3A_276 {strides = array<i32>} : memref<256x128xf32, #tpu.memory_space<vmem>>, vector<1x16xf32>,
      %parallel_loop3A_277 = arith.constant 128 : i32
      %parallel_loop3A_278 = arith.addi %parallel_loop3A_277, %parallel_loop3A_168 : i32
      %parallel_loop3A_279 = arith.constant 1 : i32
      %parallel_loop3A_280 = arith.addi %parallel_loop3A_278, %parallel_loop3A_279 : i32
      %parallel_loop3A_281 = arith.index_cast %parallel_loop3A_280 : i32 to index
      %parallel_loop3A_282 = arith.constant 64 : index
      %parallel_loop3A_283 = tpu.vector_load %arg10[%parallel_loop3A_281, %parallel_loop3A_282] {strides = array<i32>} : memref<256x128xf32, #tpu.memory_space<vmem>>, vector<1x16xf32>,
      %parallel_loop3A_284 = vector.shape_cast %parallel_loop3A_283 : vector<1x16xf32> to vector<16xf32>
      %parallel_loop3A_285 = vector.shape_cast %get3A_119 : vector<16xf32> to vector<1x16xf32>
      tpu.vector_store %arg10[%parallel_loop3A_281, %parallel_loop3A_282], %parallel_loop3A_285 {strides = array<i32>} : memref<256x128xf32, #tpu.memory_space<vmem>>, vector<1x16xf32>,
      %parallel_loop3A_286 = arith.constant 128 : i32
      %parallel_loop3A_287 = arith.addi %parallel_loop3A_286, %parallel_loop3A_168 : i32
      %parallel_loop3A_288 = arith.constant 1 : i32
      %parallel_loop3A_289 = arith.addi %parallel_loop3A_287, %parallel_loop3A_288 : i32
      %parallel_loop3A_290 = arith.index_cast %parallel_loop3A_289 : i32 to index
      %parallel_loop3A_291 = arith.constant 80 : index
      %parallel_loop3A_292 = tpu.vector_load %arg10[%parallel_loop3A_290, %parallel_loop3A_291] {strides = array<i32>} : memref<256x128xf32, #tpu.memory_space<vmem>>, vector<1x16xf32>,
      %parallel_loop3A_293 = vector.shape_cast %parallel_loop3A_292 : vector<1x16xf32> to vector<16xf32>
      %parallel_loop3A_294 = vector.shape_cast %get3A_124 : vector<16xf32> to vector<1x16xf32>
      tpu.vector_store %arg10[%parallel_loop3A_290, %parallel_loop3A_291], %parallel_loop3A_294 {strides = array<i32>} : memref<256x128xf32, #tpu.memory_space<vmem>>, vector<1x16xf32>,
      %parallel_loop3A_295 = arith.constant 128 : i32
      %parallel_loop3A_296 = arith.addi %parallel_loop3A_295, %parallel_loop3A_168 : i32
      %parallel_loop3A_297 = arith.constant 1 : i32
      %parallel_loop3A_298 = arith.addi %parallel_loop3A_296, %parallel_loop3A_297 : i32
      %parallel_loop3A_299 = arith.index_cast %parallel_loop3A_298 : i32 to index
      %parallel_loop3A_300 = arith.constant 96 : index
      %parallel_loop3A_301 = tpu.vector_load %arg10[%parallel_loop3A_299, %parallel_loop3A_300] {strides = array<i32>} : memref<256x128xf32, #tpu.memory_space<vmem>>, vector<1x16xf32>,
      %parallel_loop3A_302 = vector.shape_cast %parallel_loop3A_301 : vector<1x16xf32> to vector<16xf32>
      %parallel_loop3A_303 = vector.shape_cast %get3A_129 : vector<16xf32> to vector<1x16xf32>
      tpu.vector_store %arg10[%parallel_loop3A_299, %parallel_loop3A_300], %parallel_loop3A_303 {strides = array<i32>} : memref<256x128xf32, #tpu.memory_space<vmem>>, vector<1x16xf32>,
      %parallel_loop3A_304 = arith.constant 128 : i32
      %parallel_loop3A_305 = arith.addi %parallel_loop3A_304, %parallel_loop3A_168 : i32
      %parallel_loop3A_306 = arith.constant 1 : i32
      %parallel_loop3A_307 = arith.addi %parallel_loop3A_305, %parallel_loop3A_306 : i32
      %parallel_loop3A_308 = arith.index_cast %parallel_loop3A_307 : i32 to index
      %parallel_loop3A_309 = arith.constant 112 : index
      %parallel_loop3A_310 = tpu.vector_load %arg10[%parallel_loop3A_308, %parallel_loop3A_309] {strides = array<i32>} : memref<256x128xf32, #tpu.memory_space<vmem>>, vector<1x16xf32>,
      %parallel_loop3A_311 = vector.shape_cast %parallel_loop3A_310 : vector<1x16xf32> to vector<16xf32>
      %parallel_loop3A_312 = vector.shape_cast %get3A_134 : vector<16xf32> to vector<1x16xf32>
      tpu.vector_store %arg10[%parallel_loop3A_308, %parallel_loop3A_309], %parallel_loop3A_312 {strides = array<i32>} : memref<256x128xf32, #tpu.memory_space<vmem>>, vector<1x16xf32>,
      %parallel_loop3A_313 = arith.constant 128 : i32
      %parallel_loop3A_314 = arith.addi %parallel_loop3A_313, %parallel_loop3A_168 : i32
      %parallel_loop3A_315 = arith.constant 2 : i32
      %parallel_loop3A_316 = arith.addi %parallel_loop3A_314, %parallel_loop3A_315 : i32
      %parallel_loop3A_317 = arith.index_cast %parallel_loop3A_316 : i32 to index
      %parallel_loop3A_318 = arith.constant 0 : index
      %parallel_loop3A_319 = tpu.vector_load %arg10[%parallel_loop3A_317, %parallel_loop3A_318] {strides = array<i32>} : memref<256x128xf32, #tpu.memory_space<vmem>>, vector<1x16xf32>,
      %parallel_loop3A_320 = vector.shape_cast %parallel_loop3A_319 : vector<1x16xf32> to vector<16xf32>
      %parallel_loop3A_321 = vector.shape_cast %get3A_99 : vector<16xf32> to vector<1x16xf32>
      tpu.vector_store %arg10[%parallel_loop3A_317, %parallel_loop3A_318], %parallel_loop3A_321 {strides = array<i32>} : memref<256x128xf32, #tpu.memory_space<vmem>>, vector<1x16xf32>,
      %parallel_loop3A_322 = arith.constant 128 : i32
      %parallel_loop3A_323 = arith.addi %parallel_loop3A_322, %parallel_loop3A_168 : i32
      %parallel_loop3A_324 = arith.constant 2 : i32
      %parallel_loop3A_325 = arith.addi %parallel_loop3A_323, %parallel_loop3A_324 : i32
      %parallel_loop3A_326 = arith.index_cast %parallel_loop3A_325 : i32 to index
      %parallel_loop3A_327 = arith.constant 16 : index
      %parallel_loop3A_328 = tpu.vector_load %arg10[%parallel_loop3A_326, %parallel_loop3A_327] {strides = array<i32>} : memref<256x128xf32, #tpu.memory_space<vmem>>, vector<1x16xf32>,
      %parallel_loop3A_329 = vector.shape_cast %parallel_loop3A_328 : vector<1x16xf32> to vector<16xf32>
      %parallel_loop3A_330 = vector.shape_cast %get3A_104 : vector<16xf32> to vector<1x16xf32>
      tpu.vector_store %arg10[%parallel_loop3A_326, %parallel_loop3A_327], %parallel_loop3A_330 {strides = array<i32>} : memref<256x128xf32, #tpu.memory_space<vmem>>, vector<1x16xf32>,
      %parallel_loop3A_331 = arith.constant 128 : i32
      %parallel_loop3A_332 = arith.addi %parallel_loop3A_331, %parallel_loop3A_168 : i32
      %parallel_loop3A_333 = arith.constant 2 : i32
      %parallel_loop3A_334 = arith.addi %parallel_loop3A_332, %parallel_loop3A_333 : i32
      %parallel_loop3A_335 = arith.index_cast %parallel_loop3A_334 : i32 to index
      %parallel_loop3A_336 = arith.constant 32 : index
      %parallel_loop3A_337 = tpu.vector_load %arg10[%parallel_loop3A_335, %parallel_loop3A_336] {strides = array<i32>} : memref<256x128xf32, #tpu.memory_space<vmem>>, vector<1x16xf32>,
      %parallel_loop3A_338 = vector.shape_cast %parallel_loop3A_337 : vector<1x16xf32> to vector<16xf32>
      %parallel_loop3A_339 = vector.shape_cast %get3A_109 : vector<16xf32> to vector<1x16xf32>
      tpu.vector_store %arg10[%parallel_loop3A_335, %parallel_loop3A_336], %parallel_loop3A_339 {strides = array<i32>} : memref<256x128xf32, #tpu.memory_space<vmem>>, vector<1x16xf32>,
      %parallel_loop3A_340 = arith.constant 128 : i32
      %parallel_loop3A_341 = arith.addi %parallel_loop3A_340, %parallel_loop3A_168 : i32
      %parallel_loop3A_342 = arith.constant 2 : i32
      %parallel_loop3A_343 = arith.addi %parallel_loop3A_341, %parallel_loop3A_342 : i32
      %parallel_loop3A_344 = arith.index_cast %parallel_loop3A_343 : i32 to index
      %parallel_loop3A_345 = arith.constant 48 : index
      %parallel_loop3A_346 = tpu.vector_load %arg10[%parallel_loop3A_344, %parallel_loop3A_345] {strides = array<i32>} : memref<256x128xf32, #tpu.memory_space<vmem>>, vector<1x16xf32>,
      %parallel_loop3A_347 = vector.shape_cast %parallel_loop3A_346 : vector<1x16xf32> to vector<16xf32>
      %parallel_loop3A_348 = vector.shape_cast %get3A_114 : vector<16xf32> to vector<1x16xf32>
      tpu.vector_store %arg10[%parallel_loop3A_344, %parallel_loop3A_345], %parallel_loop3A_348 {strides = array<i32>} : memref<256x128xf32, #tpu.memory_space<vmem>>, vector<1x16xf32>,
      %parallel_loop3A_349 = arith.constant 128 : i32
      %parallel_loop3A_350 = arith.addi %parallel_loop3A_349, %parallel_loop3A_168 : i32
      %parallel_loop3A_351 = arith.constant 2 : i32
      %parallel_loop3A_352 = arith.addi %parallel_loop3A_350, %parallel_loop3A_351 : i32
      %parallel_loop3A_353 = arith.index_cast %parallel_loop3A_352 : i32 to index
      %parallel_loop3A_354 = arith.constant 64 : index
      %parallel_loop3A_355 = tpu.vector_load %arg10[%parallel_loop3A_353, %parallel_loop3A_354] {strides = array<i32>} : memref<256x128xf32, #tpu.memory_space<vmem>>, vector<1x16xf32>,
      %parallel_loop3A_356 = vector.shape_cast %parallel_loop3A_355 : vector<1x16xf32> to vector<16xf32>
      %parallel_loop3A_357 = vector.shape_cast %get3A_119 : vector<16xf32> to vector<1x16xf32>
      tpu.vector_store %arg10[%parallel_loop3A_353, %parallel_loop3A_354], %parallel_loop3A_357 {strides = array<i32>} : memref<256x128xf32, #tpu.memory_space<vmem>>, vector<1x16xf32>,
      %parallel_loop3A_358 = arith.constant 128 : i32
      %parallel_loop3A_359 = arith.addi %parallel_loop3A_358, %parallel_loop3A_168 : i32
      %parallel_loop3A_360 = arith.constant 2 : i32
      %parallel_loop3A_361 = arith.addi %parallel_loop3A_359, %parallel_loop3A_360 : i32
      %parallel_loop3A_362 = arith.index_cast %parallel_loop3A_361 : i32 to index
      %parallel_loop3A_363 = arith.constant 80 : index
      %parallel_loop3A_364 = tpu.vector_load %arg10[%parallel_loop3A_362, %parallel_loop3A_363] {strides = array<i32>} : memref<256x128xf32, #tpu.memory_space<vmem>>, vector<1x16xf32>,
      %parallel_loop3A_365 = vector.shape_cast %parallel_loop3A_364 : vector<1x16xf32> to vector<16xf32>
      %parallel_loop3A_366 = vector.shape_cast %get3A_124 : vector<16xf32> to vector<1x16xf32>
      tpu.vector_store %arg10[%parallel_loop3A_362, %parallel_loop3A_363], %parallel_loop3A_366 {strides = array<i32>} : memref<256x128xf32, #tpu.memory_space<vmem>>, vector<1x16xf32>,
      %parallel_loop3A_367 = arith.constant 128 : i32
      %parallel_loop3A_368 = arith.addi %parallel_loop3A_367, %parallel_loop3A_168 : i32
      %parallel_loop3A_369 = arith.constant 2 : i32
      %parallel_loop3A_370 = arith.addi %parallel_loop3A_368, %parallel_loop3A_369 : i32
      %parallel_loop3A_371 = arith.index_cast %parallel_loop3A_370 : i32 to index
      %parallel_loop3A_372 = arith.constant 96 : index
      %parallel_loop3A_373 = tpu.vector_load %arg10[%parallel_loop3A_371, %parallel_loop3A_372] {strides = array<i32>} : memref<256x128xf32, #tpu.memory_space<vmem>>, vector<1x16xf32>,
      %parallel_loop3A_374 = vector.shape_cast %parallel_loop3A_373 : vector<1x16xf32> to vector<16xf32>
      %parallel_loop3A_375 = vector.shape_cast %get3A_129 : vector<16xf32> to vector<1x16xf32>
      tpu.vector_store %arg10[%parallel_loop3A_371, %parallel_loop3A_372], %parallel_loop3A_375 {strides = array<i32>} : memref<256x128xf32, #tpu.memory_space<vmem>>, vector<1x16xf32>,
      %parallel_loop3A_376 = arith.constant 128 : i32
      %parallel_loop3A_377 = arith.addi %parallel_loop3A_376, %parallel_loop3A_168 : i32
      %parallel_loop3A_378 = arith.constant 2 : i32
      %parallel_loop3A_379 = arith.addi %parallel_loop3A_377, %parallel_loop3A_378 : i32
      %parallel_loop3A_380 = arith.index_cast %parallel_loop3A_379 : i32 to index
      %parallel_loop3A_381 = arith.constant 112 : index
      %parallel_loop3A_382 = tpu.vector_load %arg10[%parallel_loop3A_380, %parallel_loop3A_381] {strides = array<i32>} : memref<256x128xf32, #tpu.memory_space<vmem>>, vector<1x16xf32>,
      %parallel_loop3A_383 = vector.shape_cast %parallel_loop3A_382 : vector<1x16xf32> to vector<16xf32>
      %parallel_loop3A_384 = vector.shape_cast %get3A_134 : vector<16xf32> to vector<1x16xf32>
      tpu.vector_store %arg10[%parallel_loop3A_380, %parallel_loop3A_381], %parallel_loop3A_384 {strides = array<i32>} : memref<256x128xf32, #tpu.memory_space<vmem>>, vector<1x16xf32>,
      %parallel_loop3A_385 = arith.constant 128 : i32
      %parallel_loop3A_386 = arith.addi %parallel_loop3A_385, %parallel_loop3A_168 : i32
      %parallel_loop3A_387 = arith.constant 3 : i32
      %parallel_loop3A_388 = arith.addi %parallel_loop3A_386, %parallel_loop3A_387 : i32
      %parallel_loop3A_389 = arith.index_cast %parallel_loop3A_388 : i32 to index
      %parallel_loop3A_390 = arith.constant 0 : index
      %parallel_loop3A_391 = tpu.vector_load %arg10[%parallel_loop3A_389, %parallel_loop3A_390] {strides = array<i32>} : memref<256x128xf32, #tpu.memory_space<vmem>>, vector<1x16xf32>,
      %parallel_loop3A_392 = vector.shape_cast %parallel_loop3A_391 : vector<1x16xf32> to vector<16xf32>
      %parallel_loop3A_393 = vector.shape_cast %get3A_99 : vector<16xf32> to vector<1x16xf32>
      tpu.vector_store %arg10[%parallel_loop3A_389, %parallel_loop3A_390], %parallel_loop3A_393 {strides = array<i32>} : memref<256x128xf32, #tpu.memory_space<vmem>>, vector<1x16xf32>,
      %parallel_loop3A_394 = arith.constant 128 : i32
      %parallel_loop3A_395 = arith.addi %parallel_loop3A_394, %parallel_loop3A_168 : i32
      %parallel_loop3A_396 = arith.constant 3 : i32
      %parallel_loop3A_397 = arith.addi %parallel_loop3A_395, %parallel_loop3A_396 : i32
      %parallel_loop3A_398 = arith.index_cast %parallel_loop3A_397 : i32 to index
      %parallel_loop3A_399 = arith.constant 16 : index
      %parallel_loop3A_400 = tpu.vector_load %arg10[%parallel_loop3A_398, %parallel_loop3A_399] {strides = array<i32>} : memref<256x128xf32, #tpu.memory_space<vmem>>, vector<1x16xf32>,
      %parallel_loop3A_401 = vector.shape_cast %parallel_loop3A_400 : vector<1x16xf32> to vector<16xf32>
      %parallel_loop3A_402 = vector.shape_cast %get3A_104 : vector<16xf32> to vector<1x16xf32>
      tpu.vector_store %arg10[%parallel_loop3A_398, %parallel_loop3A_399], %parallel_loop3A_402 {strides = array<i32>} : memref<256x128xf32, #tpu.memory_space<vmem>>, vector<1x16xf32>,
      %parallel_loop3A_403 = arith.constant 128 : i32
      %parallel_loop3A_404 = arith.addi %parallel_loop3A_403, %parallel_loop3A_168 : i32
      %parallel_loop3A_405 = arith.constant 3 : i32
      %parallel_loop3A_406 = arith.addi %parallel_loop3A_404, %parallel_loop3A_405 : i32
      %parallel_loop3A_407 = arith.index_cast %parallel_loop3A_406 : i32 to index
      %parallel_loop3A_408 = arith.constant 32 : index
      %parallel_loop3A_409 = tpu.vector_load %arg10[%parallel_loop3A_407, %parallel_loop3A_408] {strides = array<i32>} : memref<256x128xf32, #tpu.memory_space<vmem>>, vector<1x16xf32>,
      %parallel_loop3A_410 = vector.shape_cast %parallel_loop3A_409 : vector<1x16xf32> to vector<16xf32>
      %parallel_loop3A_411 = vector.shape_cast %get3A_109 : vector<16xf32> to vector<1x16xf32>
      tpu.vector_store %arg10[%parallel_loop3A_407, %parallel_loop3A_408], %parallel_loop3A_411 {strides = array<i32>} : memref<256x128xf32, #tpu.memory_space<vmem>>, vector<1x16xf32>,
      %parallel_loop3A_412 = arith.constant 128 : i32
      %parallel_loop3A_413 = arith.addi %parallel_loop3A_412, %parallel_loop3A_168 : i32
      %parallel_loop3A_414 = arith.constant 3 : i32
      %parallel_loop3A_415 = arith.addi %parallel_loop3A_413, %parallel_loop3A_414 : i32
      %parallel_loop3A_416 = arith.index_cast %parallel_loop3A_415 : i32 to index
      %parallel_loop3A_417 = arith.constant 48 : index
      %parallel_loop3A_418 = tpu.vector_load %arg10[%parallel_loop3A_416, %parallel_loop3A_417] {strides = array<i32>} : memref<256x128xf32, #tpu.memory_space<vmem>>, vector<1x16xf32>,
      %parallel_loop3A_419 = vector.shape_cast %parallel_loop3A_418 : vector<1x16xf32> to vector<16xf32>
      %parallel_loop3A_420 = vector.shape_cast %get3A_114 : vector<16xf32> to vector<1x16xf32>
      tpu.vector_store %arg10[%parallel_loop3A_416, %parallel_loop3A_417], %parallel_loop3A_420 {strides = array<i32>} : memref<256x128xf32, #tpu.memory_space<vmem>>, vector<1x16xf32>,
      %parallel_loop3A_421 = arith.constant 128 : i32
      %parallel_loop3A_422 = arith.addi %parallel_loop3A_421, %parallel_loop3A_168 : i32
      %parallel_loop3A_423 = arith.constant 3 : i32
      %parallel_loop3A_424 = arith.addi %parallel_loop3A_422, %parallel_loop3A_423 : i32
      %parallel_loop3A_425 = arith.index_cast %parallel_loop3A_424 : i32 to index
      %parallel_loop3A_426 = arith.constant 64 : index
      %parallel_loop3A_427 = tpu.vector_load %arg10[%parallel_loop3A_425, %parallel_loop3A_426] {strides = array<i32>} : memref<256x128xf32, #tpu.memory_space<vmem>>, vector<1x16xf32>,
      %parallel_loop3A_428 = vector.shape_cast %parallel_loop3A_427 : vector<1x16xf32> to vector<16xf32>
      %parallel_loop3A_429 = vector.shape_cast %get3A_119 : vector<16xf32> to vector<1x16xf32>
      tpu.vector_store %arg10[%parallel_loop3A_425, %parallel_loop3A_426], %parallel_loop3A_429 {strides = array<i32>} : memref<256x128xf32, #tpu.memory_space<vmem>>, vector<1x16xf32>,
      %parallel_loop3A_430 = arith.constant 128 : i32
      %parallel_loop3A_431 = arith.addi %parallel_loop3A_430, %parallel_loop3A_168 : i32
      %parallel_loop3A_432 = arith.constant 3 : i32
      %parallel_loop3A_433 = arith.addi %parallel_loop3A_431, %parallel_loop3A_432 : i32
      %parallel_loop3A_434 = arith.index_cast %parallel_loop3A_433 : i32 to index
      %parallel_loop3A_435 = arith.constant 80 : index
      %parallel_loop3A_436 = tpu.vector_load %arg10[%parallel_loop3A_434, %parallel_loop3A_435] {strides = array<i32>} : memref<256x128xf32, #tpu.memory_space<vmem>>, vector<1x16xf32>,
      %parallel_loop3A_437 = vector.shape_cast %parallel_loop3A_436 : vector<1x16xf32> to vector<16xf32>
      %parallel_loop3A_438 = vector.shape_cast %get3A_124 : vector<16xf32> to vector<1x16xf32>
      tpu.vector_store %arg10[%parallel_loop3A_434, %parallel_loop3A_435], %parallel_loop3A_438 {strides = array<i32>} : memref<256x128xf32, #tpu.memory_space<vmem>>, vector<1x16xf32>,
      %parallel_loop3A_439 = arith.constant 128 : i32
      %parallel_loop3A_440 = arith.addi %parallel_loop3A_439, %parallel_loop3A_168 : i32
      %parallel_loop3A_441 = arith.constant 3 : i32
      %parallel_loop3A_442 = arith.addi %parallel_loop3A_440, %parallel_loop3A_441 : i32
      %parallel_loop3A_443 = arith.index_cast %parallel_loop3A_442 : i32 to index
      %parallel_loop3A_444 = arith.constant 96 : index
      %parallel_loop3A_445 = tpu.vector_load %arg10[%parallel_loop3A_443, %parallel_loop3A_444] {strides = array<i32>} : memref<256x128xf32, #tpu.memory_space<vmem>>, vector<1x16xf32>,
      %parallel_loop3A_446 = vector.shape_cast %parallel_loop3A_445 : vector<1x16xf32> to vector<16xf32>
      %parallel_loop3A_447 = vector.shape_cast %get3A_129 : vector<16xf32> to vector<1x16xf32>
      tpu.vector_store %arg10[%parallel_loop3A_443, %parallel_loop3A_444], %parallel_loop3A_447 {strides = array<i32>} : memref<256x128xf32, #tpu.memory_space<vmem>>, vector<1x16xf32>,
      %parallel_loop3A_448 = arith.constant 128 : i32
      %parallel_loop3A_449 = arith.addi %parallel_loop3A_448, %parallel_loop3A_168 : i32
      %parallel_loop3A_450 = arith.constant 3 : i32
      %parallel_loop3A_451 = arith.addi %parallel_loop3A_449, %parallel_loop3A_450 : i32
      %parallel_loop3A_452 = arith.index_cast %parallel_loop3A_451 : i32 to index
      %parallel_loop3A_453 = arith.constant 112 : index
      %parallel_loop3A_454 = tpu.vector_load %arg10[%parallel_loop3A_452, %parallel_loop3A_453] {strides = array<i32>} : memref<256x128xf32, #tpu.memory_space<vmem>>, vector<1x16xf32>,
      %parallel_loop3A_455 = vector.shape_cast %parallel_loop3A_454 : vector<1x16xf32> to vector<16xf32>
      %parallel_loop3A_456 = vector.shape_cast %get3A_134 : vector<16xf32> to vector<1x16xf32>
      tpu.vector_store %arg10[%parallel_loop3A_452, %parallel_loop3A_453], %parallel_loop3A_456 {strides = array<i32>} : memref<256x128xf32, #tpu.memory_space<vmem>>, vector<1x16xf32>,
    } {sc.loop_unroll_factor = 1 : i64, sc.parallel_access}
    %dma_wait3A = tpu.memref_slice %arg3[%min3A_3] : memref<256xi32, #tpu.memory_space<hbm>> -> memref<16xi32, #tpu.memory_space<hbm>>
    %dma_wait3A_138 = tpu.memref_slice %arg3[%min3A_3] : memref<256xi32, #tpu.memory_space<hbm>> -> memref<16xi32, #tpu.memory_space<hbm>>
    tpu.wait_dma2 semaphore(%arg11 : memref<!tpu.dma_semaphore, #tpu.memory_space<semaphore_mem>>) src(%dma_wait3A_138 : memref<16xi32, #tpu.memory_space<hbm>>) dst(%arg6 : memref<16xi32, #tpu.memory_space<vmem>>)
    %dma_wait3A_139 = tpu.memref_slice %arg4[%min3A_3] : memref<256xi32, #tpu.memory_space<hbm>> -> memref<16xi32, #tpu.memory_space<hbm>>
    %dma_wait3A_140 = tpu.memref_slice %arg4[%min3A_3] : memref<256xi32, #tpu.memory_space<hbm>> -> memref<16xi32, #tpu.memory_space<hbm>>
    tpu.wait_dma2 semaphore(%arg11 : memref<!tpu.dma_semaphore, #tpu.memory_space<semaphore_mem>>) src(%dma_wait3A_140 : memref<16xi32, #tpu.memory_space<hbm>>) dst(%arg7 : memref<16xi32, #tpu.memory_space<vmem>>)
    %get3A_141 = arith.constant 0 : index
    %get3A_142 = tpu.vector_load %arg6[%get3A_141] {strides = array<i32>} : memref<16xi32, #tpu.memory_space<vmem>>, vector<16xi32>,
    %get3A_143 = vector.shape_cast %get3A_142 : vector<16xi32> to vector<16xi32>
    %get3A_144 = arith.constant 0 : index
    %get3A_145 = tpu.vector_load %arg7[%get3A_144] {strides = array<i32>} : memref<16xi32, #tpu.memory_space<vmem>>, vector<16xi32>,
    %get3A_146 = vector.shape_cast %get3A_145 : vector<16xi32> to vector<16xi32>
    %ne3A = arith.constant 0 : i32
    %ne3A_147 = vector.broadcast %ne3A : i32 to vector<16xi32>
    %ne3A_148 = arith.cmpi ne, %get3A_146, %ne3A_147 : vector<16xi32>
    %broadcast_in_dim3A_149 = arith.constant 3 : i32
    %broadcast_in_dim3A_150 = vector.broadcast %broadcast_in_dim3A_149 : i32 to vector<16xi32>
    %select_n3A = arith.select %ne3A_148, %broadcast_in_dim3A_150, %get3A_143 : vector<16xi1>, vector<16xi32>
    %mul3A_151 = arith.constant 64 : i32
    %mul3A_152 = vector.broadcast %mul3A_151 : i32 to vector<16xi32>
    %mul3A_153 = arith.muli %select_n3A, %mul3A_152 : vector<16xi32>
    %swap3A = arith.constant 0 : index
    %swap3A_154 = tpu.vector_load %arg8[%swap3A] {strides = array<i32>} : memref<32xi32, #tpu.memory_space<vmem>>, vector<16xi32>,
    %swap3A_155 = vector.shape_cast %swap3A_154 : vector<16xi32> to vector<16xi32>
    %swap3A_156 = vector.shape_cast %mul3A_153 : vector<16xi32> to vector<16xi32>
    tpu.vector_store %arg8[%swap3A], %swap3A_156 {strides = array<i32>} : memref<32xi32, #tpu.memory_space<vmem>>, vector<16xi32>,
    %scan3A = arith.constant 0 : i32
    %scan3A_157 = arith.constant 0 : i32
    %scan3A_158 = arith.constant 8 : i32
    %scan3A_159 = arith.addi %scan3A_157, %scan3A_158 : i32
    %scan3A_160 = arith.constant 1 : i32
    scf.for %scan3A_168 = %scan3A_157 to %scan3A_159 step %scan3A_160  : i32 {
      %add3A_169 = arith.addi %sub3A, %scan3A_168 : i32
      %get3A_170 = arith.index_cast %add3A_169 : i32 to index
      %get3A_171 = tpu.vector_load %arg8[%get3A_170] {strides = array<i32>} : memref<32xi32, #tpu.memory_space<vmem>>, vector<16xi32>,
      %get3A_172 = vector.shape_cast %get3A_171 : vector<16xi32> to vector<16xi32>
      %slice3A = vector.extract_strided_slice %get3A_172 {offsets = [0], sizes = [1], strides = [1]} : vector<16xi32> to vector<1xi32>
      %squeeze3A = vector.extract %slice3A[0] : i32 from vector<1xi32>
      %add3A_173 = arith.addi %mul3A_2, %scan3A_168 : i32
      %mul3A_174 = arith.constant 2048 : i32
      %mul3A_175 = arith.muli %add3A_173, %mul3A_174 : i32
      %scan3A_176 = arith.constant 0 : i32
      %scan3A_177 = arith.constant 0 : i32
      %scan3A_178 = arith.constant 32 : i32
      %scan3A_179 = arith.addi %scan3A_177, %scan3A_178 : i32
      %scan3A_180 = arith.constant 1 : i32
      scf.for %scan3A_182 = %scan3A_177 to %scan3A_179 step %scan3A_180  : i32 {
        %mul3A_183 = arith.constant 64 : i32
        %mul3A_184 = arith.muli %scan3A_182, %mul3A_183 : i32
        %add3A_185 = arith.addi %mul3A_175, %mul3A_184 : i32
        %dma_start3A_186 = arith.constant 0 : i32
        %dma_start3A_187 = tpu.memref_slice %arg10[%squeeze3A, %dma_start3A_186] : memref<256x128xf32, #tpu.memory_space<vmem>> -> memref<64x128xf32, #tpu.memory_space<vmem>>
        %dma_start3A_188 = arith.constant 0 : i32
        %dma_start3A_189 = tpu.memref_slice %arg5[%add3A_185, %dma_start3A_188] : memref<524288x128xf32, #tpu.memory_space<hbm>> -> memref<64x128xf32, #tpu.memory_space<hbm>>
        %dma_start3A_190 = arith.constant 0 : i32
        %dma_start3A_191 = tpu.memref_slice %arg5[%add3A_185, %dma_start3A_190] : memref<524288x128xf32, #tpu.memory_space<hbm>> -> memref<64x128xf32, #tpu.memory_space<hbm>>
        %dma_start3A_192 = arith.constant 0 : i32
        %dma_start3A_193 = tpu.memref_slice %arg10[%squeeze3A, %dma_start3A_192] : memref<256x128xf32, #tpu.memory_space<vmem>> -> memref<64x128xf32, #tpu.memory_space<vmem>>
        tpu.enqueue_dma source(%dma_start3A_193 : memref<64x128xf32, #tpu.memory_space<vmem>>) target(%dma_start3A_191 : memref<64x128xf32, #tpu.memory_space<hbm>>) target_semaphore(%arg12 : memref<!tpu.dma_semaphore, #tpu.memory_space<semaphore_mem>>)
      }
      %scan3A_181 = arith.constant 32 : i32
    }
    %scan3A_161 = arith.constant 8 : i32
    %scan3A_162 = arith.constant 0 : i32
    %scan3A_163 = arith.constant 0 : i32
    %scan3A_164 = arith.constant 256 : i32
    %scan3A_165 = arith.addi %scan3A_163, %scan3A_164 : i32
    %scan3A_166 = arith.constant 1 : i32
    scf.for %scan3A_168 = %scan3A_163 to %scan3A_165 step %scan3A_166  : i32 {
      %dma_wait3A_169 = arith.constant 0 : i32
      %dma_wait3A_170 = arith.constant 0 : i32
      %dma_wait3A_171 = tpu.memref_slice %arg10[%dma_wait3A_169, %dma_wait3A_170] : memref<256x128xf32, #tpu.memory_space<vmem>> -> memref<64x128xf32, #tpu.memory_space<vmem>>
      %dma_wait3A_172 = arith.constant 0 : i32
      %dma_wait3A_173 = arith.constant 0 : i32
      %dma_wait3A_174 = tpu.memref_slice %arg5[%dma_wait3A_172, %dma_wait3A_173] : memref<524288x128xf32, #tpu.memory_space<hbm>> -> memref<64x128xf32, #tpu.memory_space<hbm>>
      %dma_wait3A_175 = arith.constant 0 : i32
      %dma_wait3A_176 = arith.constant 0 : i32
      %dma_wait3A_177 = tpu.memref_slice %arg5[%dma_wait3A_175, %dma_wait3A_176] : memref<524288x128xf32, #tpu.memory_space<hbm>> -> memref<64x128xf32, #tpu.memory_space<hbm>>
      %dma_wait3A_178 = arith.constant 0 : i32
      %dma_wait3A_179 = arith.constant 0 : i32
      %dma_wait3A_180 = tpu.memref_slice %arg10[%dma_wait3A_178, %dma_wait3A_179] : memref<256x128xf32, #tpu.memory_space<vmem>> -> memref<64x128xf32, #tpu.memory_space<vmem>>
      tpu.wait_dma2 semaphore(%arg12 : memref<!tpu.dma_semaphore, #tpu.memory_space<semaphore_mem>>) src(%dma_wait3A_180 : memref<64x128xf32, #tpu.memory_space<vmem>>) dst(%dma_wait3A_177 : memref<64x128xf32, #tpu.memory_space<hbm>>)
    }
    %scan3A_167 = arith.constant 256 : i32
    return
  }
}

</mosaic_0001>

<sc_bundles>
// kernel: kernel.3.cloned.1.call-start
scs
__scs_entry_jumppad:
0x0: {  	(pc) =	sbr.rel $0x88, $3  }
0x1: {  	(tag) =	ssettag $0x0;
	lr =	simm.s32 $0x1  }
0x2: {  	[smem:$0x3F9E] =	sst lr;
	_ =	strace $0xD0000000  }
0x3: {  	_ = 	snop  }
0x4: {  	_ = 	snop  }
0x5: {  	_ = 	snop  }
0x6: {  	_ = 	snop  }
0x7: {  	_ = 	snop  }
__scs_overlays_trampoline_lowered:
0x8: {  	[smem:$0x3FAD] =	sst s0  }
0x9: {  	[smem:$0x3FAE] =	sst s1  }
0xa: {  	[smem:$0x3FAF] =	sst s2  }
0xb: {  	[smem:$0x3FB0] =	sst s3  }
0xc: {  	[smem:$0x3FB1] =	sst s4  }
0xd: {  	[smem:$0x3FB2] =	sst s5  }
0xe: {  	[smem:$0x3FB3] =	sst s6  }
0xf: {  	[smem:$0x3FB4] =	sst s7  }
0x10: {  	[smem:$0x3FB5] =	sst s8  }
0x11: {  	[smem:$0x3FB6] =	sst s9;
	s0 =	simm.s32 @!p0 $0x0  }
0x12: {  	s1 =	sld [smem:$0x3F9C];
	s0 =	simm.s32 @p0 $0x1  }
0x13: {  	[smem:$0x3FB7] =	sst s0;
	s0 =	simm.s32 @!p1 $0x0  }
0x14: {  	s2 =	sld [smem:$0x3F9B];
	s0 =	simm.s32 @p1 $0x1  }
0x15: {  	[smem:$0x3FB8] =	sst s0;
	s0 =	simm.s32 @!p2 $0x0  }
0x16: {  	s3 =	sld [smem:$0x3FDB];
	s0 =	simm.s32 @p2 $0x1  }
0x17: {  	s4 =	simm.s32 $0x1BF5;
	[smem:$0x3FBA] =	sst s0  }
0x18: {  	s0 =	sld [smem:$0x3F9D];
	_ =	swait.ge [sflag:s4], $0x0  }
0x19: {  	s7 =	sld [smem:$0x3F9E]  }
0x1a: {  	s8 =	sadd.s32 $0xFFFFE003, lr  }
0x1b: {  	s9 =	sadd.s32 $0xFFFFFEF7, lr;
	s5 =	simm.s32 $0xFFFFFFFF;
	p2 =	slt.u32 s8, $0xFFFFF086  }
0x1c: {  	p1 =	slt.u32 s9, $0xF7A;
	s5 =	simm.s32 @!p2 $0x0  }
0x1d: {  	s5 =	simm.s32 @p1 $0x1;
	p0 =	seq.s32 s7, s2  }
0x1e: {  	s7 =	smul.u32 @!p0 $0xF7A, s2;
	p2 =	seq.s32 @!p0 s5, $0x0  }
0x1f: {  	s9 =	smul.u32 $0xF7A, s1;
	s8 =	simm.s32 @!p0 $0x1BF5;
	p2 =	por !p2, p0  }
0x20: {  	[sflag:s8] =	ssyncset.s32 @!p0 $0xFFFFF086;
	s6 =	sadd.s32 @!p0 s3, s7;
	s7 =	simm.s32 @!p0 $0x108  }
0x21: {  	s3 =	sadd.s32 s3, s9;
	s6 =	sadd.s32 @!p0 $0x88, s6;
	s7 =	simm.s32 @p2 $0x1082  }
0x22: {  	[simem:s7], [sflag:s8] =	dma.local @!p0 [hbm:s6], $0xF7A  }
0x23: {  	s9 =	sor.u32 $0xD0000000, s2;
	s6 =	simm.s32 $0x108;
	_ =	swait.ge @!p0 [sflag:s8], $0x0  }
0x24: {  	s3 =	sadd.s32 $0x88, s3;
	s6 =	simm.s32 @!p1 $0x1082;
	[sflag:s4] =	ssyncset.s32 $0xFFFFF086  }
0x25: {  	[simem:s6], [sflag:s4] =	dma.local [hbm:s3], $0xF7A  }
0x26: {  	[smem:$0x3F9E] =	sst s1;
	(tag) =	ssettag s2;
	_ =	strace s9  }
0x27: {  	s1 =	sld [smem:$0x3FAE]  }
0x28: {  	s2 =	sld [smem:$0x3FAF]  }
0x29: {  	s4 =	sld [smem:$0x3FB1]  }
0x2a: {  	p0 =	seq.s32 s5, $0x0;
	s5 =	sld [smem:$0x3FB2]  }
0x2b: {  	s6 =	sld [smem:$0x3FB3]  }
0x2c: {  	s7 =	sld [smem:$0x3FB4]  }
0x2d: {  	s3 =	simm.s32 $0x108;
	s8 =	sld [smem:$0x3FB5]  }
0x2e: {  	s3 =	simm.s32 @!p0 $0x1082;
	s9 =	sld [smem:$0x3FB6]  }
0x2f: {  	lr =	sadd.s32 s0, s3;
	s0 =	sld [smem:$0x3FAD]  }
0x30: {  	s3 =	sld [smem:$0x3FB0]  }
0x31: {  	[smem:$0x3FB9] =	sst s10  }
0x32: {  	s10 =	sld [smem:$0x3FB7];
	_ =	sdelay $0x3  }
0x33: {  	p0 =	seq.s32 s10, $0x1;
	s10 =	sld [smem:$0x3FB9];
	_ =	sdelay $0x3  }
0x34: {  	[smem:$0x3FB9] =	sst s10  }
0x35: {  	s10 =	sld [smem:$0x3FB8];
	_ =	sdelay $0x3  }
0x36: {  	p1 =	seq.s32 s10, $0x1;
	s10 =	sld [smem:$0x3FB9];
	_ =	sdelay $0x3  }
0x37: {  	[smem:$0x3FB9] =	sst s10  }
0x38: {  	s10 =	sld [smem:$0x3FBA]  }
0x39: {  	_ = 	snop;
	(pc) =	sbr.ind lr, $3  }
0x3a: {  	_ = 	snop  }
0x3b: {  	_ = 	snop  }
0x3c: {  	p2 =	seq.s32 s10, $0x1;
	s10 =	sld [smem:$0x3FB9]  }
0x3d: {  	_ =	shalt  }
0x3e: {  	_ =	shalt  }
0x3f: {  	_ =	shalt  }
0x40: {  	_ =	shalt  }
0x41: {  	_ =	shalt  }
0x42: {  	_ =	shalt  }
0x43: {  	_ =	shalt  }
0x44: {  	_ =	shalt  }
0x45: {  	_ =	shalt  }
0x46: {  	_ =	shalt  }
0x47: {  	_ =	shalt  }
0x48: {  	_ =	shalt  }
0x49: {  	_ =	shalt  }
0x4a: {  	_ =	shalt  }
0x4b: {  	_ =	shalt  }
0x4c: {  	_ =	shalt  }
0x4d: {  	_ =	shalt  }
0x4e: {  	_ =	shalt  }
0x4f: {  	_ =	shalt  }
0x50: {  	_ =	shalt  }
0x51: {  	_ =	shalt  }
0x52: {  	_ =	shalt  }
0x53: {  	_ =	shalt  }
0x54: {  	_ =	shalt  }
0x55: {  	_ =	shalt  }
0x56: {  	_ =	shalt  }
0x57: {  	_ =	shalt  }
0x58: {  	_ =	shalt  }
0x59: {  	_ =	shalt  }
0x5a: {  	_ =	shalt  }
0x5b: {  	_ =	shalt  }
0x5c: {  	_ =	shalt  }
0x5d: {  	_ =	shalt  }
0x5e: {  	_ =	shalt  }
0x5f: {  	_ =	shalt  }
0x60: {  	_ =	shalt  }
0x61: {  	_ =	shalt  }
0x62: {  	_ =	shalt  }
0x63: {  	_ =	shalt  }
0x64: {  	_ =	shalt  }
0x65: {  	_ =	shalt  }
0x66: {  	_ =	shalt  }
0x67: {  	_ =	shalt  }
0x68: {  	_ =	shalt  }
0x69: {  	_ =	shalt  }
0x6a: {  	_ =	shalt  }
0x6b: {  	_ =	shalt  }
0x6c: {  	_ =	shalt  }
0x6d: {  	_ =	shalt  }
0x6e: {  	_ =	shalt  }
0x6f: {  	_ =	shalt  }
0x70: {  	_ =	shalt  }
0x71: {  	_ =	shalt  }
0x72: {  	_ =	shalt  }
0x73: {  	_ =	shalt  }
0x74: {  	_ =	shalt  }
0x75: {  	_ =	shalt  }
0x76: {  	_ =	shalt  }
0x77: {  	_ =	shalt  }
0x78: {  	_ =	shalt  }
0x79: {  	_ =	shalt  }
0x7a: {  	_ =	shalt  }
0x7b: {  	_ =	shalt  }
0x7c: {  	_ =	shalt  }
0x7d: {  	_ =	shalt  }
0x7e: {  	_ =	shalt  }
0x7f: {  	_ =	shalt  }
0x80: {  	_ =	shalt  }
0x81: {  	_ =	shalt  }
0x82: {  	_ =	shalt  }
0x83: {  	_ =	shalt  }
0x84: {  	_ =	shalt  }
0x85: {  	_ =	shalt  }
0x86: {  	_ =	shalt  }
0x87: {  	_ =	shalt  }
.Lfunc_end0:
.L_simem_size_0:
called_computation_lowered:
.L_overlay_start_0:
0x88: {  	s2 =	sld [smem:$0x3FD9]  }
0x89: {  	s3 =	sld [smem:$0x3FFE];
	_ =	sdelay $0x1  }
0x8a: {  	s1 =	srdreg.scid  }
0x8b: {  	s0 =	sand.u32 $0x1, s1  }
0x8c: {  	s17 =	sshll.u32 s0, $0xA;
	s2 =	sadd.s32 s3, s2  }
0x8d: {  	s2 =	sadd.s32 s2, s17  }
0x8e: {  	[smem:$0x3FC5] =	sst s2  }
0x8f: {  	_ = 	snop  }
0x90: {  	s2 =	sld [smem:$0x3FC9]  }
0x91: {  	s18 =	sld [smem:$0x3FD0];
	(tm) =	ssettm $0x1  }
0x92: {  	s4 =	sld [smem:$0x3FFB];
	_ =	sdelay $0x3  }
0x93: {  	_ =	strace s4  }
0x94: {  	s4 =	sld [smem:$0x3FFC];
	_ =	sdelay $0x3  }
0x95: {  	_ =	strace s4  }
0x96: {  	s4 =	sld [smem:$0x3FFD];
	_ =	sdelay $0x3  }
0x97: {  	_ =	strace s4  }
0x98: {  	_ =	strace $0x8FFFFFFF  }
0x99: {  	s19 =	sld [smem:$0x3FDB];
	_ =	sdelay $0x1  }
0x9a: {  	s5 =	simm.s32 $_scs_section_size  }
0x9b: {  	s6 =	simm.s32 $_size__tile_overlayer_lowered;
	s7 =	simm.s32 $_tile_overlayer_lowered  }
0x9c: {  	s22 =	simm.s32 $0x1BFF;
	s21 =	sshll.u32 s7, $0x1;
	s4 =	sadd.s32 s5, s19  }
0x9d: {  	s8 =	simm.s32 $0x0;
	s20 =	sshll.u32 s6, $0x1;
	s6 =	sadd.s32 s21, s4  }
0x9e: {  	[timem:s8], [sflag:s22] =	dma.local [hbm:s6], s20  }
0x9f: {  	_ =	swait.ge [sflag:s22], s20  }
0xa0: {  	s5 =	ssub.s32 $0x0, s20;
	[sflag:s22] =	ssyncset.done $0x0  }
0xa1: {  	[sflag:s22] =	ssyncadd.s32 s5;
	_ =	sdelay $0x1  }
0xa2: {  	s23 =	simm.s32 $0x1B8B  }
0xa3: {  	_ =	swait.ge [sflag:s23], $0x1  }
0xa4: {  	[sflag:s23] =	ssyncset.done $0x0  }
0xa5: {  	s25 =	simm.s32 $0x1B8E;
	s24 =	sld [smem:$0x3FFE];
	[sflag:s23] =	ssyncadd.s32 $0xFFFFFFFF  }
0xa6: {  	s26 =	simm.s32 $execute0_lowered;
	[smem:$0x3FD2] =	sst s25  }
0xa7: {  	s6 =	sshll.u32 s26, $0x1;
	_ =	strace $0x80000046;
	[dreg:$0x1] =	wrdreg $0xFFFFFFFF  }
0xa8: {  	s28 =	simm.s32 $_size_execute0_lowered;
	s4 =	sadd.s32 s4, s6;
	[dreg:$0x0] =	wrdreg $0x0  }
0xa9: {  	s6 =	sshll.u32 s28, $0x1;
	[dreg:$0x2] =	wrdreg s4  }
0xaa: {  	[dreg:$0x3] =	wrdreg s6  }
0xab: {  	[dreg:$0x4] =	wrdreg $0xC0  }
0xac: {  	_ =	task [dreg:s8], $0x5FFFF  }
0xad: {  	[dreg:$0x1] =	wrdreg $0xFFFFFFFF  }
0xae: {  	[dreg:$0x0] =	wrdreg $0x60  }
0xaf: {  	[dreg:$0x2] =	wrdreg s2  }
0xb0: {  	[dreg:$0x3] =	wrdreg s24  }
0xb1: {  	[dreg:$0x4] =	wrdreg s18  }
0xb2: {  	[dreg:$0x5] =	wrdreg $0x9  }
0xb3: {  	_ =	task.clear_ibuf [dreg:s8], $0x6FFFF;
	_ =	strace $0x90000046  }
0xb4: {  	s29 =	simm.s32 $0x9;
	_ =	strace $0x80000048  }
0xb5: {  	_ =	swait.ge [sflag:s29], $0x1  }
0xb6: {  	[sflag:s29] =	ssyncadd.s32 $0xFFFFFFFF  }
0xb7: {  	_ =	strace $0x90000048  }
0xb8: {  	_ =	sfence  }
0xb9: {  	s30 =	sld [smem:$0x0];
	_ =	sdelay $0x2  }
0xba: {  	s31 =	sshll.u32 s1, $0xD;
	s1 =	sshrl.u32 s1, $0x2  }
0xbb: {  	s3 =	sand.u32 $0x4000, s31;
	s1 =	sadd.s32 s1, s30  }
0xbc: {  	s0 =	sor.u32 s3, s0;
	s1 =	sshll.u32 s1, $0x11  }
0xbd: {  	s0 =	sor.u32 s1, s0  }
0xbe: {  	s0 =	sadd.s32 $0x8F2B, s0  }
0xbf: {  	[sflag:s0] =	ssyncadd.remote.s32 $0x1  }
0xc0: {  	_ =	sfence.sel $0xFFFF  }
0xc1: {  	[dreg:$0x0] =	wrdreg $0xFFFFFFFF;
	(pc) =	sbr.abs _section_cstart, $3  }
0xc2: {  	[dreg:$0x1] =	wrdreg $0xFFFFFFFF  }
0xc3: {  	_ =	task.clear_ibuf [dreg:s8], $0x2FFFF;
	_ =	strace $0x9FFFFFFF  }
0xc4: {  	(tm) =	ssettm $0x7FFFFFFF  }
0xc5: {  	_ =	shalt  }
tec
execute0_lowered:
.L_overlay_start_1:
0x0: {  	(tag) =	ssettag $0x1  }
0x1: {  	s1 =	rddreg [dreg:$0x0]  }
0x2: {  	s2 =	srdreg.scid;
	s4 =	rddreg [dreg:$0x1]  }
0x3: {  	s0 =	stileid.u32;
	s7 =	rddreg [dreg:$0x2];
	s16 =	simm.s32 $0x180  }
0x4: {  	s17 =	simm.s32 $0x80;
	s18 =	simm.s32 $0x1;
	s19 =	simm.s32 $0x2  }
0x5: {  	s20 =	simm.s32 $0x0;
	s6 =	sand.u32 $0x1, s2;
	s29 =	sshll.u32 s0, $0x4  }
0x6: {  	s2 =	rddreg [dreg:$0x3];
	s31 =	sshll.u32 s0, $0x13;
	s3 =	sshll.u32 s6, $0x3  }
0x7: {  	s10 =	ssub.s32 $0x2, s6;
	s11 =	sshll.u32 s6, $0x12;
	s5 =	sor.u32 s3, s29  }
0x8: {  	s3 =	simm.s32 $0x0;
	s30 =	sshrl.u32 s10, $0x1;
	s8 =	smin.u32 s5, $0xF0  }
0x9: {  	[smem:$0x7FF] =	sst s3;
	s10 =	ssub.s32 s10, s30;
	s9 =	sshrl.u32 s8, $0x3  }
0xa: {  	s9 =	sadd.s32 s9, s4;
	s4 =	ssub.s32 s5, s8;
	s8 =	sadd.s32 s31, s7  }
0xb: {  	_ =	strace $0x80000047;
	s7 =	smax.u32 s10, $0x1;
	s8 =	sadd.s32 s11, s8  }
0xc: {  	s5 =	sadd.s32 $0x400, s9;
	s6 =	sadd.s32 $0x600, s9;
	s9 =	sadd.s32 $0x8000, s8  }
0xd: {  	s10 =	sadd.s32 $0x10000, s8;
	s11 =	sadd.s32 $0x18000, s8;
	s12 =	sadd.s32 $0x20000, s8  }
0xe: {  	v0 =	vimm.f32 $0.0e+00;
	s13 =	sadd.s32 $0x28000, s8;
	s14 =	sadd.s32 $0x30000, s8;
	s15 =	sadd.s32 $0x38000, s8  }
.LBB2_1:
0xf: {  	[tilespmem:s16], [sflag:$0x1] =	stream.linear.gather [hbm4b:s1+s3], $0x180, $0x38;
	[tilespmem:$0x8380] =	vst v63  }
0x10: {  	_ = 	snop  }
0x11: {  	[tilespmem:s3], [sflag:$0x1] =	stream.linear.gather [hbm4b:s5+s3], $0x10, $0x38;
	[tilespmem:$0x8380] =	vst v63  }
0x12: {  	s21 =	simm.s32 $0x6380  }
0x13: {  	[tilespmem:s17], [sflag:$0x1] =	stream.linear.gather [hbm4b:s6+s3], $0x10, $0x38;
	[tilespmem:$0x8380] =	vst v63  }
0x14: {  	[tilespmem:s21+$0x0] =	vst v0  }
0x15: {  	[tilespmem:s21+$0x1F0] =	vst v0  }
0x16: {  	[tilespmem:s21+$0x1E0] =	vst v0  }
0x17: {  	[tilespmem:s21+$0x1D0] =	vst v0  }
0x18: {  	[tilespmem:s21+$0x1C0] =	vst v0  }
0x19: {  	[tilespmem:s21+$0x1B0] =	vst v0  }
0x1a: {  	[tilespmem:s21+$0x1A0] =	vst v0  }
0x1b: {  	[tilespmem:s21+$0x190] =	vst v0  }
0x1c: {  	[tilespmem:s21+$0x180] =	vst v0  }
0x1d: {  	[tilespmem:s21+$0x170] =	vst v0  }
0x1e: {  	[tilespmem:s21+$0x160] =	vst v0  }
0x1f: {  	[tilespmem:s21+$0x150] =	vst v0  }
0x20: {  	[tilespmem:s21+$0x140] =	vst v0  }
0x21: {  	[tilespmem:s21+$0x130] =	vst v0  }
0x22: {  	[tilespmem:s21+$0x120] =	vst v0  }
0x23: {  	[tilespmem:s21+$0x110] =	vst v0  }
0x24: {  	[tilespmem:s21+$0x100] =	vst v0  }
0x25: {  	[tilespmem:s21+$0xF0] =	vst v0  }
0x26: {  	[tilespmem:s21+$0xE0] =	vst v0  }
0x27: {  	[tilespmem:s21+$0xD0] =	vst v0  }
0x28: {  	[tilespmem:s21+$0xC0] =	vst v0  }
0x29: {  	[tilespmem:s21+$0xB0] =	vst v0  }
0x2a: {  	[tilespmem:s21+$0xA0] =	vst v0  }
0x2b: {  	[tilespmem:s21+$0x90] =	vst v0  }
0x2c: {  	[tilespmem:s21+$0x80] =	vst v0  }
0x2d: {  	[tilespmem:s21+$0x70] =	vst v0  }
0x2e: {  	[tilespmem:s21+$0x60] =	vst v0  }
0x2f: {  	[tilespmem:s21+$0x50] =	vst v0  }
0x30: {  	[tilespmem:s21+$0x40] =	vst v0  }
0x31: {  	[tilespmem:s21+$0x30] =	vst v0  }
0x32: {  	s22 =	simm.s32 $0x0;
	[tilespmem:s21+$0x20] =	vst v0  }
.LBB2_2:
0x33: {  	s22 =	sadd.s32 $0x4, s22;
	[tilespmem:s21+$0x10] =	vst v0;
	s21 =	sadd.s32 $0x200, s21  }
0x34: {  	[tilespmem:s21+$0x0] =	vst v0;
	p0 =	slt.u32 s22, $0x3C  }
0x35: {  	[tilespmem:s21+$0x1F0] =	vst v0  }
0x36: {  	[tilespmem:s21+$0x1E0] =	vst v0  }
0x37: {  	[tilespmem:s21+$0x1D0] =	vst v0  }
0x38: {  	[tilespmem:s21+$0x1C0] =	vst v0  }
0x39: {  	[tilespmem:s21+$0x1B0] =	vst v0  }
0x3a: {  	[tilespmem:s21+$0x1A0] =	vst v0  }
0x3b: {  	[tilespmem:s21+$0x190] =	vst v0  }
0x3c: {  	[tilespmem:s21+$0x180] =	vst v0  }
0x3d: {  	[tilespmem:s21+$0x170] =	vst v0  }
0x3e: {  	[tilespmem:s21+$0x160] =	vst v0  }
0x3f: {  	[tilespmem:s21+$0x150] =	vst v0  }
0x40: {  	[tilespmem:s21+$0x140] =	vst v0  }
0x41: {  	[tilespmem:s21+$0x130] =	vst v0  }
0x42: {  	[tilespmem:s21+$0x120] =	vst v0  }
0x43: {  	[tilespmem:s21+$0x110] =	vst v0  }
0x44: {  	[tilespmem:s21+$0x100] =	vst v0  }
0x45: {  	[tilespmem:s21+$0xF0] =	vst v0  }
0x46: {  	[tilespmem:s21+$0xE0] =	vst v0  }
0x47: {  	[tilespmem:s21+$0xD0] =	vst v0  }
0x48: {  	[tilespmem:s21+$0xC0] =	vst v0  }
0x49: {  	[tilespmem:s21+$0xB0] =	vst v0  }
0x4a: {  	[tilespmem:s21+$0xA0] =	vst v0  }
0x4b: {  	[tilespmem:s21+$0x90] =	vst v0  }
0x4c: {  	[tilespmem:s21+$0x80] =	vst v0  }
0x4d: {  	[tilespmem:s21+$0x70] =	vst v0  }
.Ltmp0:
0x4e: {  	[tilespmem:s21+$0x60] =	vst v0;
	(pc) =	sbr.rel @p0 .LBB2_2-.Ltmp0, $4  }
0x4f: {  	[tilespmem:s21+$0x50] =	vst v0  }
0x50: {  	[tilespmem:s21+$0x40] =	vst v0  }
0x51: {  	[tilespmem:s21+$0x30] =	vst v0  }
0x52: {  	[tilespmem:s21+$0x20] =	vst v0  }
0x53: {  	[tilespmem:s21+$0x10] =	vst v0  }
0x54: {  	_ =	swait.ge [sflag:s18], $0x180  }
0x55: {  	[sflag:s18] =	ssyncset.done $0x0  }
0x56: {  	[sflag:s18] =	ssyncadd.s32 $0xFFFFFE80  }
0x57: {  	v2 =	vld [tilespmem:$0x180]  }
0x58: {  	v1 =	vld [tilespmem:$0x190]  }
0x59: {  	v3 =	vld [tilespmem:$0x1A0]  }
0x5a: {  	v5 =	vld [tilespmem:$0x1F0]  }
0x5b: {  	v6 =	vld [tilespmem:$0x1E0]  }
0x5c: {  	v7 =	vld [tilespmem:$0x1D0]  }
0x5d: {  	s21 =	simm.s32 $0x480;
	v8 =	vld [tilespmem:$0x1C0]  }
0x5e: {  	v4 =	vld [tilespmem:$0x1B0];
	[tilespmem:s21+$0xFFFFFF00] =	vst v2  }
0x5f: {  	[tilespmem:s21+$0xF0] =	vst v5  }
0x60: {  	[tilespmem:s21+$0xE0] =	vst v6  }
0x61: {  	[tilespmem:s21+$0xD0] =	vst v7  }
0x62: {  	[tilespmem:s21+$0xC0] =	vst v8  }
0x63: {  	[tilespmem:s21+$0xB0] =	vst v4  }
0x64: {  	[tilespmem:s21+$0xA0] =	vst v3  }
0x65: {  	[tilespmem:s21+$0x90] =	vst v1  }
0x66: {  	[tilespmem:s21+$0x80] =	vst v2  }
0x67: {  	[tilespmem:s21+$0x70] =	vst v5  }
0x68: {  	[tilespmem:s21+$0x60] =	vst v6  }
0x69: {  	[tilespmem:s21+$0x50] =	vst v7  }
0x6a: {  	[tilespmem:s21+$0x40] =	vst v8  }
0x6b: {  	[tilespmem:s21+$0x30] =	vst v4  }
0x6c: {  	[tilespmem:s21+$0x20] =	vst v3  }
0x6d: {  	[tilespmem:s21+$0x10] =	vst v1  }
0x6e: {  	[tilespmem:s21+$0x0] =	vst v2  }
0x6f: {  	[tilespmem:s21+$0xFFFFFFF0] =	vst v5  }
0x70: {  	[tilespmem:s21+$0xFFFFFFE0] =	vst v6  }
0x71: {  	[tilespmem:s21+$0xFFFFFFD0] =	vst v7  }
0x72: {  	[tilespmem:s21+$0xFFFFFFC0] =	vst v8  }
0x73: {  	[tilespmem:s21+$0xFFFFFFB0] =	vst v4  }
0x74: {  	[tilespmem:s21+$0xFFFFFFA0] =	vst v3  }
0x75: {  	[tilespmem:s21+$0xFFFFFF90] =	vst v1  }
0x76: {  	[tilespmem:s21+$0xFFFFFF80] =	vst v2  }
0x77: {  	[tilespmem:s21+$0xFFFFFF70] =	vst v5  }
0x78: {  	[tilespmem:s21+$0xFFFFFF60] =	vst v6  }
0x79: {  	[tilespmem:s21+$0xFFFFFF50] =	vst v7  }
0x7a: {  	[tilespmem:s21+$0xFFFFFF40] =	vst v8  }
0x7b: {  	[tilespmem:s21+$0xFFFFFF30] =	vst v4  }
0x7c: {  	s22 =	simm.s32 $0x0;
	[tilespmem:s21+$0xFFFFFF20] =	vst v3  }
.LBB2_4:
0x7d: {  	s22 =	sadd.s32 $0x4, s22;
	[tilespmem:s21+$0xFFFFFF10] =	vst v1;
	s21 =	sadd.s32 $0x200, s21  }
0x7e: {  	[tilespmem:s21+$0xFFFFFF00] =	vst v2;
	p0 =	slt.u32 s22, $0x3C  }
0x7f: {  	[tilespmem:s21+$0xF0] =	vst v5  }
0x80: {  	[tilespmem:s21+$0xE0] =	vst v6  }
0x81: {  	[tilespmem:s21+$0xD0] =	vst v7  }
0x82: {  	[tilespmem:s21+$0xC0] =	vst v8  }
0x83: {  	[tilespmem:s21+$0xB0] =	vst v4  }
0x84: {  	[tilespmem:s21+$0xA0] =	vst v3  }
0x85: {  	[tilespmem:s21+$0x90] =	vst v1  }
0x86: {  	[tilespmem:s21+$0x80] =	vst v2  }
0x87: {  	[tilespmem:s21+$0x70] =	vst v5  }
0x88: {  	[tilespmem:s21+$0x60] =	vst v6  }
0x89: {  	[tilespmem:s21+$0x50] =	vst v7  }
0x8a: {  	[tilespmem:s21+$0x40] =	vst v8  }
0x8b: {  	[tilespmem:s21+$0x30] =	vst v4  }
0x8c: {  	[tilespmem:s21+$0x20] =	vst v3  }
0x8d: {  	[tilespmem:s21+$0x10] =	vst v1  }
0x8e: {  	[tilespmem:s21+$0x0] =	vst v2  }
0x8f: {  	[tilespmem:s21+$0xFFFFFFF0] =	vst v5  }
0x90: {  	[tilespmem:s21+$0xFFFFFFE0] =	vst v6  }
0x91: {  	[tilespmem:s21+$0xFFFFFFD0] =	vst v7  }
0x92: {  	[tilespmem:s21+$0xFFFFFFC0] =	vst v8  }
0x93: {  	[tilespmem:s21+$0xFFFFFFB0] =	vst v4  }
0x94: {  	[tilespmem:s21+$0xFFFFFFA0] =	vst v3  }
0x95: {  	[tilespmem:s21+$0xFFFFFF90] =	vst v1  }
0x96: {  	[tilespmem:s21+$0xFFFFFF80] =	vst v2  }
0x97: {  	[tilespmem:s21+$0xFFFFFF70] =	vst v5  }
.Ltmp1:
0x98: {  	[tilespmem:s21+$0xFFFFFF60] =	vst v6;
	(pc) =	sbr.rel @p0 .LBB2_4-.Ltmp1, $4  }
0x99: {  	[tilespmem:s21+$0xFFFFFF50] =	vst v7  }
0x9a: {  	[tilespmem:s21+$0xFFFFFF40] =	vst v8  }
0x9b: {  	[tilespmem:s21+$0xFFFFFF30] =	vst v4  }
0x9c: {  	[tilespmem:s21+$0xFFFFFF20] =	vst v3  }
0x9d: {  	[tilespmem:s21+$0xFFFFFF10] =	vst v1  }
0x9e: {  	v2 =	vld [tilespmem:$0x200]  }
0x9f: {  	v1 =	vld [tilespmem:$0x210]  }
0xa0: {  	v3 =	vld [tilespmem:$0x220]  }
0xa1: {  	v5 =	vld [tilespmem:$0x270]  }
0xa2: {  	v6 =	vld [tilespmem:$0x260]  }
0xa3: {  	v7 =	vld [tilespmem:$0x250]  }
0xa4: {  	s21 =	simm.s32 $0x2570;
	v8 =	vld [tilespmem:$0x240]  }
0xa5: {  	v4 =	vld [tilespmem:$0x230];
	[tilespmem:s21+$0xFFFFFE10] =	vst v2  }
0xa6: {  	[tilespmem:s21+$0x0] =	vst v5  }
0xa7: {  	[tilespmem:s21+$0xFFFFFFF0] =	vst v6  }
0xa8: {  	[tilespmem:s21+$0xFFFFFFE0] =	vst v7  }
0xa9: {  	[tilespmem:s21+$0xFFFFFFD0] =	vst v8  }
0xaa: {  	[tilespmem:s21+$0xFFFFFFC0] =	vst v4  }
0xab: {  	[tilespmem:s21+$0xFFFFFFB0] =	vst v3  }
0xac: {  	[tilespmem:s21+$0xFFFFFFA0] =	vst v1  }
0xad: {  	[tilespmem:s21+$0xFFFFFF90] =	vst v2  }
0xae: {  	[tilespmem:s21+$0xFFFFFF80] =	vst v5  }
0xaf: {  	[tilespmem:s21+$0xFFFFFF70] =	vst v6  }
0xb0: {  	[tilespmem:s21+$0xFFFFFF60] =	vst v7  }
0xb1: {  	[tilespmem:s21+$0xFFFFFF50] =	vst v8  }
0xb2: {  	[tilespmem:s21+$0xFFFFFF40] =	vst v4  }
0xb3: {  	[tilespmem:s21+$0xFFFFFF30] =	vst v3  }
0xb4: {  	[tilespmem:s21+$0xFFFFFF20] =	vst v1  }
0xb5: {  	[tilespmem:s21+$0xFFFFFF10] =	vst v2  }
0xb6: {  	[tilespmem:s21+$0xFFFFFF00] =	vst v5  }
0xb7: {  	[tilespmem:s21+$0xFFFFFEF0] =	vst v6  }
0xb8: {  	[tilespmem:s21+$0xFFFFFEE0] =	vst v7  }
0xb9: {  	[tilespmem:s21+$0xFFFFFED0] =	vst v8  }
0xba: {  	[tilespmem:s21+$0xFFFFFEC0] =	vst v4  }
0xbb: {  	[tilespmem:s21+$0xFFFFFEB0] =	vst v3  }
0xbc: {  	[tilespmem:s21+$0xFFFFFEA0] =	vst v1  }
0xbd: {  	[tilespmem:s21+$0xFFFFFE90] =	vst v2  }
0xbe: {  	[tilespmem:s21+$0xFFFFFE80] =	vst v5  }
0xbf: {  	[tilespmem:s21+$0xFFFFFE70] =	vst v6  }
0xc0: {  	[tilespmem:s21+$0xFFFFFE60] =	vst v7  }
0xc1: {  	[tilespmem:s21+$0xFFFFFE50] =	vst v8  }
0xc2: {  	[tilespmem:s21+$0xFFFFFE40] =	vst v4  }
0xc3: {  	s22 =	simm.s32 $0x0;
	[tilespmem:s21+$0xFFFFFE30] =	vst v3  }
.LBB2_6:
0xc4: {  	s22 =	sadd.s32 $0x4, s22;
	[tilespmem:s21+$0xFFFFFE20] =	vst v1;
	s21 =	sadd.s32 $0x200, s21  }
0xc5: {  	[tilespmem:s21+$0xFFFFFE10] =	vst v2;
	p0 =	slt.u32 s22, $0x3C  }
0xc6: {  	[tilespmem:s21+$0x0] =	vst v5  }
0xc7: {  	[tilespmem:s21+$0xFFFFFFF0] =	vst v6  }
0xc8: {  	[tilespmem:s21+$0xFFFFFFE0] =	vst v7  }
0xc9: {  	[tilespmem:s21+$0xFFFFFFD0] =	vst v8  }
0xca: {  	[tilespmem:s21+$0xFFFFFFC0] =	vst v4  }
0xcb: {  	[tilespmem:s21+$0xFFFFFFB0] =	vst v3  }
0xcc: {  	[tilespmem:s21+$0xFFFFFFA0] =	vst v1  }
0xcd: {  	[tilespmem:s21+$0xFFFFFF90] =	vst v2  }
0xce: {  	[tilespmem:s21+$0xFFFFFF80] =	vst v5  }
0xcf: {  	[tilespmem:s21+$0xFFFFFF70] =	vst v6  }
0xd0: {  	[tilespmem:s21+$0xFFFFFF60] =	vst v7  }
0xd1: {  	[tilespmem:s21+$0xFFFFFF50] =	vst v8  }
0xd2: {  	[tilespmem:s21+$0xFFFFFF40] =	vst v4  }
0xd3: {  	[tilespmem:s21+$0xFFFFFF30] =	vst v3  }
0xd4: {  	[tilespmem:s21+$0xFFFFFF20] =	vst v1  }
0xd5: {  	[tilespmem:s21+$0xFFFFFF10] =	vst v2  }
0xd6: {  	[tilespmem:s21+$0xFFFFFF00] =	vst v5  }
0xd7: {  	[tilespmem:s21+$0xFFFFFEF0] =	vst v6  }
0xd8: {  	[tilespmem:s21+$0xFFFFFEE0] =	vst v7  }
0xd9: {  	[tilespmem:s21+$0xFFFFFED0] =	vst v8  }
0xda: {  	[tilespmem:s21+$0xFFFFFEC0] =	vst v4  }
0xdb: {  	[tilespmem:s21+$0xFFFFFEB0] =	vst v3  }
0xdc: {  	[tilespmem:s21+$0xFFFFFEA0] =	vst v1  }
0xdd: {  	[tilespmem:s21+$0xFFFFFE90] =	vst v2  }
0xde: {  	[tilespmem:s21+$0xFFFFFE80] =	vst v5  }
.Ltmp2:
0xdf: {  	[tilespmem:s21+$0xFFFFFE70] =	vst v6;
	(pc) =	sbr.rel @p0 .LBB2_6-.Ltmp2, $4  }
0xe0: {  	[tilespmem:s21+$0xFFFFFE60] =	vst v7  }
0xe1: {  	[tilespmem:s21+$0xFFFFFE50] =	vst v8  }
0xe2: {  	[tilespmem:s21+$0xFFFFFE40] =	vst v4  }
0xe3: {  	[tilespmem:s21+$0xFFFFFE30] =	vst v3  }
0xe4: {  	[tilespmem:s21+$0xFFFFFE20] =	vst v1  }
0xe5: {  	v2 =	vld [tilespmem:$0x280]  }
0xe6: {  	v1 =	vld [tilespmem:$0x290]  }
0xe7: {  	v3 =	vld [tilespmem:$0x2A0]  }
0xe8: {  	v5 =	vld [tilespmem:$0x2F0]  }
0xe9: {  	v6 =	vld [tilespmem:$0x2E0]  }
0xea: {  	v7 =	vld [tilespmem:$0x2D0]  }
0xeb: {  	s21 =	simm.s32 $0x4380;
	v8 =	vld [tilespmem:$0x2C0]  }
0xec: {  	v4 =	vld [tilespmem:$0x2B0];
	[tilespmem:s21+$0x0] =	vst v2  }
0xed: {  	[tilespmem:s21+$0x1F0] =	vst v5  }
0xee: {  	[tilespmem:s21+$0x1E0] =	vst v6  }
0xef: {  	[tilespmem:s21+$0x1D0] =	vst v7  }
0xf0: {  	[tilespmem:s21+$0x1C0] =	vst v8  }
0xf1: {  	[tilespmem:s21+$0x1B0] =	vst v4  }
0xf2: {  	[tilespmem:s21+$0x1A0] =	vst v3  }
0xf3: {  	[tilespmem:s21+$0x190] =	vst v1  }
0xf4: {  	[tilespmem:s21+$0x180] =	vst v2  }
0xf5: {  	[tilespmem:s21+$0x170] =	vst v5  }
0xf6: {  	[tilespmem:s21+$0x160] =	vst v6  }
0xf7: {  	[tilespmem:s21+$0x150] =	vst v7  }
0xf8: {  	[tilespmem:s21+$0x140] =	vst v8  }
0xf9: {  	[tilespmem:s21+$0x130] =	vst v4  }
0xfa: {  	[tilespmem:s21+$0x120] =	vst v3  }
0xfb: {  	[tilespmem:s21+$0x110] =	vst v1  }
0xfc: {  	[tilespmem:s21+$0x100] =	vst v2  }
0xfd: {  	[tilespmem:s21+$0xF0] =	vst v5  }
0xfe: {  	[tilespmem:s21+$0xE0] =	vst v6  }
0xff: {  	[tilespmem:s21+$0xD0] =	vst v7  }
0x100: {  	[tilespmem:s21+$0xC0] =	vst v8  }
0x101: {  	[tilespmem:s21+$0xB0] =	vst v4  }
0x102: {  	[tilespmem:s21+$0xA0] =	vst v3  }
0x103: {  	[tilespmem:s21+$0x90] =	vst v1  }
0x104: {  	[tilespmem:s21+$0x80] =	vst v2  }
0x105: {  	[tilespmem:s21+$0x70] =	vst v5  }
0x106: {  	[tilespmem:s21+$0x60] =	vst v6  }
0x107: {  	[tilespmem:s21+$0x50] =	vst v7  }
0x108: {  	[tilespmem:s21+$0x40] =	vst v8  }
0x109: {  	[tilespmem:s21+$0x30] =	vst v4  }
0x10a: {  	s22 =	simm.s32 $0x0;
	[tilespmem:s21+$0x20] =	vst v3  }
.LBB2_8:
0x10b: {  	s22 =	sadd.s32 $0x4, s22;
	[tilespmem:s21+$0x10] =	vst v1;
	s21 =	sadd.s32 $0x200, s21  }
0x10c: {  	[tilespmem:s21+$0x0] =	vst v2;
	p0 =	slt.u32 s22, $0x3C  }
0x10d: {  	[tilespmem:s21+$0x1F0] =	vst v5  }
0x10e: {  	[tilespmem:s21+$0x1E0] =	vst v6  }
0x10f: {  	[tilespmem:s21+$0x1D0] =	vst v7  }
0x110: {  	[tilespmem:s21+$0x1C0] =	vst v8  }
0x111: {  	[tilespmem:s21+$0x1B0] =	vst v4  }
0x112: {  	[tilespmem:s21+$0x1A0] =	vst v3  }
0x113: {  	[tilespmem:s21+$0x190] =	vst v1  }
0x114: {  	[tilespmem:s21+$0x180] =	vst v2  }
0x115: {  	[tilespmem:s21+$0x170] =	vst v5  }
0x116: {  	[tilespmem:s21+$0x160] =	vst v6  }
0x117: {  	[tilespmem:s21+$0x150] =	vst v7  }
0x118: {  	[tilespmem:s21+$0x140] =	vst v8  }
0x119: {  	[tilespmem:s21+$0x130] =	vst v4  }
0x11a: {  	[tilespmem:s21+$0x120] =	vst v3  }
0x11b: {  	[tilespmem:s21+$0x110] =	vst v1  }
0x11c: {  	[tilespmem:s21+$0x100] =	vst v2  }
0x11d: {  	[tilespmem:s21+$0xF0] =	vst v5  }
0x11e: {  	[tilespmem:s21+$0xE0] =	vst v6  }
0x11f: {  	[tilespmem:s21+$0xD0] =	vst v7  }
0x120: {  	[tilespmem:s21+$0xC0] =	vst v8  }
0x121: {  	[tilespmem:s21+$0xB0] =	vst v4  }
0x122: {  	[tilespmem:s21+$0xA0] =	vst v3  }
0x123: {  	[tilespmem:s21+$0x90] =	vst v1  }
0x124: {  	[tilespmem:s21+$0x80] =	vst v2  }
0x125: {  	[tilespmem:s21+$0x70] =	vst v5  }
.Ltmp3:
0x126: {  	[tilespmem:s21+$0x60] =	vst v6;
	(pc) =	sbr.rel @p0 .LBB2_8-.Ltmp3, $4  }
0x127: {  	[tilespmem:s21+$0x50] =	vst v7  }
0x128: {  	[tilespmem:s21+$0x40] =	vst v8  }
0x129: {  	[tilespmem:s21+$0x30] =	vst v4  }
0x12a: {  	[tilespmem:s21+$0x20] =	vst v3  }
0x12b: {  	[tilespmem:s21+$0x10] =	vst v1  }
0x12c: {  	_ =	swait.ge [sflag:s18], $0x10  }
0x12d: {  	[sflag:s18] =	ssyncset.done $0x0  }
0x12e: {  	[sflag:s18] =	ssyncadd.s32 $0xFFFFFFF0  }
0x12f: {  	_ =	swait.ge [sflag:s18], $0x10  }
0x130: {  	[sflag:s18] =	ssyncset.done $0x0  }
0x131: {  	[sflag:s18] =	ssyncadd.s32 $0xFFFFFFF0  }
0x132: {  	v1 =	vld [tilespmem:$0x0]  }
0x133: {  	v2 =	vld [tilespmem:$0x80];
	_ =	sdelay $0x4  }
0x134: {  	vm0 =	veq.s32 v2, $0x0;
	v1 =	vshll.u32 v1, $0x6  }
0x135: {  	v1 =	vnsel vm0, $0xC0, v1  }
0x136: {  	[tilespmem:$0x100] =	vst v1  }
0x137: {  	v1 =	vld [tilespmem:s4+$0x100];
	_ =	sdelay $0x4  }
0x138: {  	(v2sf) =	vpush v1, $0x0;
	_ =	sdelay $0xe  }
0x139: {  	s31 =	spop (v2sf)  }
0x13a: {  	s21 =	sshll.u32 s31, $0x9  }
0x13b: {  	s21 =	sshra.s32 s21, $0x2  }
0x13c: {  	s22 =	simm.s32 $0x400;
	s23 =	sadd.s32 $0x0, s8;
	s21 =	sadd.s32 $0x380, s21  }
.LBB2_10:
0x13d: {  	[hbm4b:s23+s3] =	stream.linear.scatter [tilespmem:s21], [sflag:$0x2], $0x2000, $0x38;
	[tilespmem:$0x8380] =	vst v63  }
0x13e: {  	s23 =	smov.u32 s22;
	p0 =	sne.s32 s22, $0x7C00  }
.Ltmp4:
0x13f: {  	s22 =	sadd.s32 $0x400, s22;
	(pc) =	sbr.rel @p0 .LBB2_10-.Ltmp4, $2  }
0x140: {  	_ =	sdelay $0x2  }
0x141: {  	s23 =	sadd.s32 s23, s8  }
0x142: {  	[hbm4b:s23+s3] =	stream.linear.scatter [tilespmem:s21], [sflag:$0x2], $0x2000, $0x38;
	[tilespmem:$0x8380] =	vst v63  }
0x143: {  	v1 =	vld [tilespmem:s4+$0x101];
	_ =	sdelay $0x4  }
0x144: {  	(v2sf) =	vpush v1, $0x0;
	_ =	sdelay $0xe  }
0x145: {  	s31 =	spop (v2sf)  }
0x146: {  	s21 =	sshll.u32 s31, $0x9  }
0x147: {  	s21 =	sshra.s32 s21, $0x2  }
0x148: {  	s22 =	simm.s32 $0x400;
	s23 =	sadd.s32 $0x0, s9;
	s21 =	sadd.s32 $0x380, s21  }
.LBB2_12:
0x149: {  	[hbm4b:s23+s3] =	stream.linear.scatter [tilespmem:s21], [sflag:$0x2], $0x2000, $0x38;
	[tilespmem:$0x8380] =	vst v63  }
0x14a: {  	s23 =	smov.u32 s22;
	p0 =	sne.s32 s22, $0x7C00  }
.Ltmp5:
0x14b: {  	s22 =	sadd.s32 $0x400, s22;
	(pc) =	sbr.rel @p0 .LBB2_12-.Ltmp5, $2  }
0x14c: {  	_ =	sdelay $0x2  }
0x14d: {  	s23 =	sadd.s32 s23, s9  }
0x14e: {  	[hbm4b:s23+s3] =	stream.linear.scatter [tilespmem:s21], [sflag:$0x2], $0x2000, $0x38;
	[tilespmem:$0x8380] =	vst v63  }
0x14f: {  	v1 =	vld [tilespmem:s4+$0x102];
	_ =	sdelay $0x4  }
0x150: {  	(v2sf) =	vpush v1, $0x0;
	_ =	sdelay $0xe  }
0x151: {  	s31 =	spop (v2sf)  }
0x152: {  	s21 =	sshll.u32 s31, $0x9  }
0x153: {  	s21 =	sshra.s32 s21, $0x2  }
0x154: {  	s22 =	simm.s32 $0x400;
	s23 =	sadd.s32 $0x0, s10;
	s21 =	sadd.s32 $0x380, s21  }
.LBB2_14:
0x155: {  	[hbm4b:s23+s3] =	stream.linear.scatter [tilespmem:s21], [sflag:$0x2], $0x2000, $0x38;
	[tilespmem:$0x8380] =	vst v63  }
0x156: {  	s23 =	smov.u32 s22;
	p0 =	sne.s32 s22, $0x7C00  }
.Ltmp6:
0x157: {  	s22 =	sadd.s32 $0x400, s22;
	(pc) =	sbr.rel @p0 .LBB2_14-.Ltmp6, $2  }
0x158: {  	_ =	sdelay $0x2  }
0x159: {  	s23 =	sadd.s32 s23, s10  }
0x15a: {  	[hbm4b:s23+s3] =	stream.linear.scatter [tilespmem:s21], [sflag:$0x2], $0x2000, $0x38;
	[tilespmem:$0x8380] =	vst v63  }
0x15b: {  	v1 =	vld [tilespmem:s4+$0x103];
	_ =	sdelay $0x4  }
0x15c: {  	(v2sf) =	vpush v1, $0x0;
	_ =	sdelay $0xe  }
0x15d: {  	s31 =	spop (v2sf)  }
0x15e: {  	s21 =	sshll.u32 s31, $0x9  }
0x15f: {  	s21 =	sshra.s32 s21, $0x2  }
0x160: {  	s22 =	simm.s32 $0x400;
	s23 =	sadd.s32 $0x0, s11;
	s21 =	sadd.s32 $0x380, s21  }
.LBB2_16:
0x161: {  	[hbm4b:s23+s3] =	stream.linear.scatter [tilespmem:s21], [sflag:$0x2], $0x2000, $0x38;
	[tilespmem:$0x8380] =	vst v63  }
0x162: {  	s23 =	smov.u32 s22;
	p0 =	sne.s32 s22, $0x7C00  }
.Ltmp7:
0x163: {  	s22 =	sadd.s32 $0x400, s22;
	(pc) =	sbr.rel @p0 .LBB2_16-.Ltmp7, $2  }
0x164: {  	_ =	sdelay $0x2  }
0x165: {  	s23 =	sadd.s32 s23, s11  }
0x166: {  	[hbm4b:s23+s3] =	stream.linear.scatter [tilespmem:s21], [sflag:$0x2], $0x2000, $0x38;
	[tilespmem:$0x8380] =	vst v63  }
0x167: {  	v1 =	vld [tilespmem:s4+$0x104];
	_ =	sdelay $0x4  }
0x168: {  	(v2sf) =	vpush v1, $0x0;
	_ =	sdelay $0xe  }
0x169: {  	s31 =	spop (v2sf)  }
0x16a: {  	s21 =	sshll.u32 s31, $0x9  }
0x16b: {  	s21 =	sshra.s32 s21, $0x2  }
0x16c: {  	s22 =	simm.s32 $0x400;
	s23 =	sadd.s32 $0x0, s12;
	s21 =	sadd.s32 $0x380, s21  }
.LBB2_18:
0x16d: {  	[hbm4b:s23+s3] =	stream.linear.scatter [tilespmem:s21], [sflag:$0x2], $0x2000, $0x38;
	[tilespmem:$0x8380] =	vst v63  }
0x16e: {  	s23 =	smov.u32 s22;
	p0 =	sne.s32 s22, $0x7C00  }
.Ltmp8:
0x16f: {  	s22 =	sadd.s32 $0x400, s22;
	(pc) =	sbr.rel @p0 .LBB2_18-.Ltmp8, $2  }
0x170: {  	_ =	sdelay $0x2  }
0x171: {  	s23 =	sadd.s32 s23, s12  }
0x172: {  	[hbm4b:s23+s3] =	stream.linear.scatter [tilespmem:s21], [sflag:$0x2], $0x2000, $0x38;
	[tilespmem:$0x8380] =	vst v63  }
0x173: {  	v1 =	vld [tilespmem:s4+$0x105];
	_ =	sdelay $0x4  }
0x174: {  	(v2sf) =	vpush v1, $0x0;
	_ =	sdelay $0xe  }
0x175: {  	s31 =	spop (v2sf)  }
0x176: {  	s21 =	sshll.u32 s31, $0x9  }
0x177: {  	s21 =	sshra.s32 s21, $0x2  }
0x178: {  	s22 =	simm.s32 $0x400;
	s23 =	sadd.s32 $0x0, s13;
	s21 =	sadd.s32 $0x380, s21  }
.LBB2_20:
0x179: {  	[hbm4b:s23+s3] =	stream.linear.scatter [tilespmem:s21], [sflag:$0x2], $0x2000, $0x38;
	[tilespmem:$0x8380] =	vst v63  }
0x17a: {  	s23 =	smov.u32 s22;
	p0 =	sne.s32 s22, $0x7C00  }
.Ltmp9:
0x17b: {  	s22 =	sadd.s32 $0x400, s22;
	(pc) =	sbr.rel @p0 .LBB2_20-.Ltmp9, $2  }
0x17c: {  	_ =	sdelay $0x2  }
0x17d: {  	s23 =	sadd.s32 s23, s13  }
0x17e: {  	[hbm4b:s23+s3] =	stream.linear.scatter [tilespmem:s21], [sflag:$0x2], $0x2000, $0x38;
	[tilespmem:$0x8380] =	vst v63  }
0x17f: {  	v1 =	vld [tilespmem:s4+$0x106];
	_ =	sdelay $0x4  }
0x180: {  	(v2sf) =	vpush v1, $0x0;
	_ =	sdelay $0xe  }
0x181: {  	s31 =	spop (v2sf)  }
0x182: {  	s21 =	sshll.u32 s31, $0x9  }
0x183: {  	s21 =	sshra.s32 s21, $0x2  }
0x184: {  	s22 =	simm.s32 $0x400;
	s23 =	sadd.s32 $0x0, s14;
	s21 =	sadd.s32 $0x380, s21  }
.LBB2_22:
0x185: {  	[hbm4b:s23+s3] =	stream.linear.scatter [tilespmem:s21], [sflag:$0x2], $0x2000, $0x38;
	[tilespmem:$0x8380] =	vst v63  }
0x186: {  	s23 =	smov.u32 s22;
	p0 =	sne.s32 s22, $0x7C00  }
.Ltmp10:
0x187: {  	s22 =	sadd.s32 $0x400, s22;
	(pc) =	sbr.rel @p0 .LBB2_22-.Ltmp10, $2  }
0x188: {  	_ =	sdelay $0x2  }
0x189: {  	s23 =	sadd.s32 s23, s14  }
0x18a: {  	[hbm4b:s23+s3] =	stream.linear.scatter [tilespmem:s21], [sflag:$0x2], $0x2000, $0x38;
	[tilespmem:$0x8380] =	vst v63  }
0x18b: {  	v1 =	vld [tilespmem:s4+$0x107];
	_ =	sdelay $0x4  }
0x18c: {  	(v2sf) =	vpush v1, $0x0;
	_ =	sdelay $0xe  }
0x18d: {  	s31 =	spop (v2sf)  }
0x18e: {  	s21 =	sshll.u32 s31, $0x9  }
0x18f: {  	s21 =	sshra.s32 s21, $0x2  }
0x190: {  	s22 =	simm.s32 $0x0;
	s21 =	sadd.s32 $0x380, s21  }
.LBB2_24:
0x191: {  	p0 =	sne.s32 s22, $0x7C00  }
.Ltmp11:
0x192: {  	_ = 	snop;
	(pc) =	sbr.rel @p0 .LBB2_24-.Ltmp11, $3  }
0x193: {  	_ =	sdelay $0x1  }
0x194: {  	s23 =	sadd.s32 s22, s15;
	s22 =	sadd.s32 $0x400, s22  }
0x195: {  	[hbm4b:s23+s3] =	stream.linear.scatter [tilespmem:s21], [sflag:$0x2], $0x2000, $0x38;
	[tilespmem:$0x8380] =	vst v63  }
0x196: {  	_ =	swait.ge [sflag:s19], $0x2000  }
0x197: {  	s21 =	simm.s32 $0xFF;
	[sflag:s19] =	ssyncset.done $0x0  }
.LBB2_26:
0x198: {  	p0 =	sne.s32 s21, $0x1;
	s21 =	sadd.s32 $0xFFFFFFFF, s21;
	[sflag:s19] =	ssyncadd.s32 $0xFFFFE000  }
.Ltmp12:
0x199: {  	(pc) =	sbr.rel @p0 .LBB2_26-.Ltmp12, $3  }
0x19a: {  	_ =	sdelay $0x1  }
0x19b: {  	_ =	swait.ge [sflag:s19], $0x2000  }
0x19c: {  	[sflag:s19] =	ssyncset.done $0x0  }
0x19d: {  	s20 =	sadd.s32 $0x1, s20  }
0x19e: {  	p0 =	sne.s32 s20, s7  }
.Ltmp13:
0x19f: {  	_ = 	snop;
	(pc) =	sbr.rel @p0 .LBB2_1-.Ltmp13, $2  }
0x1a0: {  	_ =	sdelay $0x2  }
0x1a1: {  	[sflag:s19] =	ssyncadd.s32 $0xFFFFE000  }
0x1a2: {  	_ =	sfence.sel $0x180000  }
0x1a3: {  	[bflag:$0x0] =	sbarrier.arrive $0xFFFF  }
0x1a4: {  	p0 =	sne.s32 s0, $0x0;
	_ =	strace $0x90000047  }
0x1a5: {  	s0 =	sadd.s32 @!p0 $0x100000, s2;
	[bflag:$0x2] =	sbarrier.arrive $0xFFFF  }
0x1a6: {  	[sflag:s0] =	ssyncadd.tile.s32 @!p0 $0x1;
	_ =	shalt  }
.Lfunc_end2:
_tile_overlayer_lowered:
.L_overlay_start_2:
0x1a7: {  	(tag) =	ssettag $0x2  }
0x1a8: {  	s0 =	rddreg [dreg:$0x0];
	s2 =	stileid.u32  }
0x1a9: {  	s1 =	rddreg [dreg:$0x1];
	p0 =	sne.s32 s2, $0x0  }
0x1aa: {  	s3 =	rddreg [dreg:$0x2];
	[bflag:$0x3] =	sbarrier.arrive $0xFFFF;
	s2 =	simm.s32 @!p0 $0x1C03  }
0x1ab: {  	[timem:s3], [sflag:s2] =	dma.local @!p0 [hbm:s0], s1  }
0x1ac: {  	s0 =	simm.s32 @!p0 $0x3  }
0x1ad: {  	_ =	swait.ge @!p0 [sflag:s0], s1  }
0x1ae: {  	s1 =	ssub.s32 @!p0 $0x0, s1;
	[sflag:s0] =	ssyncset.done @!p0 $0x0  }
0x1af: {  	[sflag:s0] =	ssyncadd.s32 @!p0 s1  }
0x1b0: {  	[bflag:$0x3] =	sbarrier.arrive $0xFFFF  }
0x1b1: {  	_ =	shalt  }

</sc_bundles>
